<compile_context>
chip_gen: v7x
topology: tpu7x:2x2x1
jax: 0.10.2.dev20260603
libtpu: 0.0.44.dev20260713+nightly
codegen_flags: <defaults>
</compile_context>

<pallas_src>
import functools

import jax
import jax.numpy as jnp
from jax import lax
from jax.experimental import pallas as pl
from jax.experimental.pallas import tpu as pltpu
from jax.experimental.pallas import tpu_sc as plsc

D = 64
SCALE = 8.0
NC, NS = 2, 16
NW = NC * NS
BW = 512
CR = 256
NH = 50
NJ = 2 * NH
NBUF = 3

TL = 16384
NBLK = 31
H = NBLK * TL
NLAST = 61


def _detranspose_table(table_t):
    def body(a_ref, b_ref, o_ref):
        eye = jnp.eye(128, dtype=jnp.float32)
        dn = (((0,), (0,)), ((), ()))
        c = jnp.concatenate([a_ref[...], b_ref[...]], axis=0)
        o_ref[...] = jax.lax.dot_general(
            c, eye, dn, preferred_element_type=jnp.float32
        )

    return pl.pallas_call(
        body,
        grid=(NBLK,),
        in_specs=[
            pl.BlockSpec((64, TL), lambda i: (0, i)),
            pl.BlockSpec((64, TL), lambda i: (0, jnp.minimum(i + NBLK, NLAST))),
        ],
        out_specs=pl.BlockSpec((TL, 128), lambda i: (i, 0)),
        out_shape=jax.ShapeDtypeStruct((H, 128), jnp.float32),
    )(table_t, table_t)


def _untranspose_out(hm):
    def body(x_ref, o_ref):
        eye = jnp.eye(D, dtype=jnp.float32) * SCALE
        dn = (((1,), (1,)), ((), ()))
        for i in range(2):
            t = lax.dot_general(
                eye, x_ref[i], dn, preferred_element_type=jnp.float32
            )
            r4 = t.reshape(8, 8, 128, 128)
            o_ref[pl.ds(i * 8, 8)] = jnp.transpose(r4, (0, 2, 1, 3))

    return pl.pallas_call(
        body,
        grid=(NH // 2,),
        in_specs=[pl.BlockSpec((2, 16384, D), lambda h: (h, 0, 0))],
        out_specs=pl.BlockSpec((16, 128, 8, 128), lambda h: (h, 0, 0, 0)),
        out_shape=jax.ShapeDtypeStruct((NH * 8, 128, 8, 128), jnp.float32),
    )(hm)


@jax.jit
def _sc_gather(xt, table):
    @functools.partial(
        pl.kernel,
        out_type=jax.ShapeDtypeStruct((NH, 16384, D), jnp.float32),
        mesh=plsc.VectorSubcoreMesh(core_axis_name="c", subcore_axis_name="s"),
        scratch_types=[
            pltpu.VMEM((NH, BW), jnp.int32),
            pltpu.VMEM((1, CR, D), jnp.float32),
            pltpu.VMEM((1, CR, D), jnp.float32),
            pltpu.VMEM((1, CR, D), jnp.float32),
            pltpu.SemaphoreType.DMA,
            pltpu.SemaphoreType.DMA,
            pltpu.SemaphoreType.DMA,
        ],
        compiler_params=pltpu.CompilerParams(use_tc_tiling_on_sc=False),
    )
    def body(xt_hbm, tab_hbm, out_hbm, idx_v, r0, r1, r2, s0, s1, s2):
        wid = lax.axis_index("s") * NC + lax.axis_index("c")
        b0w = BW * wid
        bufs = (r0, r1, r2)
        sems = (s0, s1, s2)

        pltpu.sync_copy(xt_hbm.at[:, pl.ds(b0w, BW)], idx_v)

        def fire(j, b):
            h, p2 = j // 2, j % 2
            for g in range(2):
                pltpu.async_copy(
                    tab_hbm.at[idx_v.at[h, pl.ds(p2 * CR + g * 128, 128)]],
                    bufs[b].at[0, pl.ds(g * 128, 128)],
                    sems[b],
                )

        def drain_gather(j, b):
            h, p2 = j // 2, j % 2
            for g in range(2):
                pltpu.make_async_copy(
                    tab_hbm.at[idx_v.at[h, pl.ds(p2 * CR + g * 128, 128)]],
                    bufs[b].at[0, pl.ds(g * 128, 128)],
                    sems[b],
                ).wait()

        def store(j, b):
            h, p2 = j // 2, j % 2
            pltpu.async_copy(
                bufs[b],
                out_hbm.at[pl.ds(h, 1), pl.ds(b0w + p2 * CR, CR)],
                sems[b],
            )

        def drain_store(j, b):
            h, p2 = j // 2, j % 2
            pltpu.make_async_copy(
                bufs[b],
                out_hbm.at[pl.ds(h, 1), pl.ds(b0w + p2 * CR, CR)],
                sems[b],
            ).wait()

        def block(jj, bmod, fire_next=True, drain_prev=True):
            nb = (bmod + 1) % NBUF
            if drain_prev:
                drain_store(jj - 2, nb)
            if fire_next:
                fire(jj + 1, nb)
            drain_gather(jj, bmod)
            store(jj, bmod)

        fire(0, 0)
        block(0, 0, drain_prev=False)
        block(1, 1, drain_prev=False)
        block(2, 2)
        block(3, 0)

        def triple(t, carry):
            j = 4 + 3 * t
            block(j, 1)
            block(j + 1, 2)
            block(j + 2, 0)
            return carry

        lax.fori_loop(0, (NJ - 6) // 3, triple, None)

        block(NJ - 3, (NJ - 3) % NBUF)
        block(NJ - 2, (NJ - 2) % NBUF)
        block(NJ - 1, (NJ - 1) % NBUF, fire_next=False)
        drain_store(NJ - 2, (NJ - 2) % NBUF)
        drain_store(NJ - 1, (NJ - 1) % NBUF)

    return body(xt, table)


def kernel(x, input_embedding):
    b, h = x.shape
    xi = x.astype(jnp.int32)
    xt = jnp.where(xi < H, xi * 2, (xi - H) * 2 + 1).T
    tab2 = _detranspose_table(input_embedding.T)
    tab_rm = tab2.reshape(2 * H, D)
    hm = _sc_gather(xt, tab_rm)
    out4 = _untranspose_out(hm)
    o5 = out4.reshape(NH, 8, 128, 8, 128)
    return jnp.transpose(o5, (2, 4, 0, 1, 3)).reshape(b, h, D)

# --- scband reference (transcript-rebuilt; emitter-appended) ---
"""Pipeline reference for scband-embedder-12610023981269 (READ-ONLY COPY).

The authoritative reference and input builder live on the scoring server;
editing this copy changes nothing except your own understanding.
"""

import jax, jax.numpy as jnp
import numpy as np

VOCAB = 1000000
EMBED_DIM = 64
BATCH = 16384
HIST = 50

def setup_inputs(seed: int = 0) -> dict:
    key = jax.random.key(seed)
    k_idx, k_tab = jax.random.split(key)
    x = jax.random.randint(k_idx, (BATCH, HIST), 0, VOCAB, dtype=jnp.int64 if jax.config.jax_enable_x64 else jnp.int32)
    # nn.initializers.normal() default stddev = 1e-2
    input_embedding = jax.random.normal(k_tab, (VOCAB, EMBED_DIM), dtype=jnp.float32) * 0.01
    return {"x": x, "input_embedding": input_embedding}

def reference(x, input_embedding):
    # Embedder.encode: gather rows then scale by sqrt(embed_dim)
    out = jnp.take(input_embedding, x, axis=0)
    out = out * jnp.sqrt(jnp.float32(EMBED_DIM)).astype(out.dtype)
    return out

if __name__ == "__main__":
    import jax
    _d = setup_inputs()
    print(jax.jit(kernel)(*tuple(_d.values())))

</pallas_src>

<mosaic_0001>
#map = affine_map<(d0, d1) -> (0, 0)>
#map1 = affine_map<(d0, d1) -> (0, 0, 0)>
module attributes {stable_mosaic.version = 14 : i64} {
  func.func @body(%arg0: i32, %arg1: i32, %arg2: memref<50x16384xi32, #tpu.memory_space<hbm>>, %arg3: memref<1015808x64xf32, #tpu.memory_space<hbm>>, %arg4: memref<50x16384x64xf32, #tpu.memory_space<hbm>>, %arg5: memref<50x512xi32, #tpu.memory_space<vmem>>, %arg6: memref<1x256x64xf32, #tpu.memory_space<vmem>>, %arg7: memref<1x256x64xf32, #tpu.memory_space<vmem>>, %arg8: memref<1x256x64xf32, #tpu.memory_space<vmem>>, %arg9: memref<!tpu.dma_semaphore, #tpu.memory_space<semaphore_mem>>, %arg10: memref<!tpu.dma_semaphore, #tpu.memory_space<semaphore_mem>>, %arg11: memref<!tpu.dma_semaphore, #tpu.memory_space<semaphore_mem>>) attributes {dimension_semantics = [#tpu.dimension_semantics<core_parallel>, #tpu.dimension_semantics<subcore_parallel>], iteration_bounds = array<i64: 2, 16>, scalar_prefetch = 0 : i64, scratch_operands = 7 : i64, tpu.core_type = #tpu.core_type<sc_vector_subcore>, window_params = [{transform_indices = #map}, {transform_indices = #map}, {transform_indices = #map1}]} {
    %mul3A = arith.constant 2 : i32
    %mul3A_0 = arith.muli %arg1, %mul3A : i32
    %add3A = arith.addi %mul3A_0, %arg0 : i32
    %mul3A_1 = arith.constant 512 : i32
    %mul3A_2 = arith.muli %mul3A_1, %add3A : i32
    "tpu.region"() ({
      %run_scoped3A = tpu.sem_alloc : memref<!tpu.dma_semaphore, #tpu.memory_space<semaphore_mem>>
      %dma_start3A_453 = arith.constant 0 : i32
      %dma_start3A_454 = tpu.memref_slice %arg2[%dma_start3A_453, %mul3A_2] : memref<50x16384xi32, #tpu.memory_space<hbm>> -> memref<50x512xi32, #tpu.memory_space<hbm>>
      %dma_start3A_455 = arith.constant 0 : i32
      %dma_start3A_456 = tpu.memref_slice %arg2[%dma_start3A_455, %mul3A_2] : memref<50x16384xi32, #tpu.memory_space<hbm>> -> memref<50x512xi32, #tpu.memory_space<hbm>>
      tpu.enqueue_dma source(%dma_start3A_456 : memref<50x512xi32, #tpu.memory_space<hbm>>) target(%arg5 : memref<50x512xi32, #tpu.memory_space<vmem>>) target_semaphore(%run_scoped3A : memref<!tpu.dma_semaphore, #tpu.memory_space<semaphore_mem>>)
      %dma_wait3A_457 = arith.constant 0 : i32
      %dma_wait3A_458 = tpu.memref_slice %arg2[%dma_wait3A_457, %mul3A_2] : memref<50x16384xi32, #tpu.memory_space<hbm>> -> memref<50x512xi32, #tpu.memory_space<hbm>>
      %dma_wait3A_459 = arith.constant 0 : i32
      %dma_wait3A_460 = tpu.memref_slice %arg2[%dma_wait3A_459, %mul3A_2] : memref<50x16384xi32, #tpu.memory_space<hbm>> -> memref<50x512xi32, #tpu.memory_space<hbm>>
      tpu.wait_dma2 semaphore(%run_scoped3A : memref<!tpu.dma_semaphore, #tpu.memory_space<semaphore_mem>>) src(%dma_wait3A_460 : memref<50x512xi32, #tpu.memory_space<hbm>>) dst(%arg5 : memref<50x512xi32, #tpu.memory_space<vmem>>)
      tpu.yield
    }) : () -> ()
    %dma_start3A = arith.constant 0 : i32
    %dma_start3A_3 = arith.constant 0 : i32
    %dma_start3A_4 = arith.constant 0 : i32
    %dma_start3A_5 = arith.constant 0 : i32
    %dma_start3A_6 = tpu.memref_slice %arg6[%dma_start3A_3, %dma_start3A_4, %dma_start3A_5] : memref<1x256x64xf32, #tpu.memory_space<vmem>> -> memref<1x128x64xf32, #tpu.memory_space<vmem>>
    %dma_start3A_7 = tpu.memref_squeeze %dma_start3A_6 : memref<1x128x64xf32, #tpu.memory_space<vmem>> -> memref<128x64xf32, #tpu.memory_space<vmem>>
    %dma_start3A_8 = arith.constant 0 : i32
    %dma_start3A_9 = tpu.memref_slice %arg5[%dma_start3A, %dma_start3A_8] : memref<50x512xi32, #tpu.memory_space<vmem>> -> memref<1x128xi32, #tpu.memory_space<vmem>>
    %dma_start3A_10 = tpu.memref_squeeze %dma_start3A_9 : memref<1x128xi32, #tpu.memory_space<vmem>> -> memref<128xi32, #tpu.memory_space<vmem>>
    %dma_start3A_11 = arith.constant 0 : i32
    %dma_start3A_12 = arith.constant 0 : i32
    %dma_start3A_13 = tpu.memref_slice %arg3[%dma_start3A_11, %dma_start3A_12] : memref<1015808x64xf32, #tpu.memory_space<hbm>> -> memref<1015808x64xf32, #tpu.memory_space<hbm>>
    tpu.enqueue_indirect_dma source(%dma_start3A_13 : memref<1015808x64xf32, #tpu.memory_space<hbm>>) target(%dma_start3A_7 : memref<128x64xf32, #tpu.memory_space<vmem>>) offsets(%dma_start3A_10 : memref<128xi32, #tpu.memory_space<vmem>>) semaphore(%arg9 : memref<!tpu.dma_semaphore, #tpu.memory_space<semaphore_mem>>)
    %dma_start3A_14 = arith.constant 0 : i32
    %dma_start3A_15 = arith.constant 0 : i32
    %dma_start3A_16 = arith.constant 128 : i32
    %dma_start3A_17 = arith.constant 0 : i32
    %dma_start3A_18 = tpu.memref_slice %arg6[%dma_start3A_15, %dma_start3A_16, %dma_start3A_17] : memref<1x256x64xf32, #tpu.memory_space<vmem>> -> memref<1x128x64xf32, #tpu.memory_space<vmem>>
    %dma_start3A_19 = tpu.memref_squeeze %dma_start3A_18 : memref<1x128x64xf32, #tpu.memory_space<vmem>> -> memref<128x64xf32, #tpu.memory_space<vmem>>
    %dma_start3A_20 = arith.constant 128 : i32
    %dma_start3A_21 = tpu.memref_slice %arg5[%dma_start3A_14, %dma_start3A_20] : memref<50x512xi32, #tpu.memory_space<vmem>> -> memref<1x128xi32, #tpu.memory_space<vmem>>
    %dma_start3A_22 = tpu.memref_squeeze %dma_start3A_21 : memref<1x128xi32, #tpu.memory_space<vmem>> -> memref<128xi32, #tpu.memory_space<vmem>>
    %dma_start3A_23 = arith.constant 0 : i32
    %dma_start3A_24 = arith.constant 0 : i32
    %dma_start3A_25 = tpu.memref_slice %arg3[%dma_start3A_23, %dma_start3A_24] : memref<1015808x64xf32, #tpu.memory_space<hbm>> -> memref<1015808x64xf32, #tpu.memory_space<hbm>>
    tpu.enqueue_indirect_dma source(%dma_start3A_25 : memref<1015808x64xf32, #tpu.memory_space<hbm>>) target(%dma_start3A_19 : memref<128x64xf32, #tpu.memory_space<vmem>>) offsets(%dma_start3A_22 : memref<128xi32, #tpu.memory_space<vmem>>) semaphore(%arg9 : memref<!tpu.dma_semaphore, #tpu.memory_space<semaphore_mem>>)
    %dma_start3A_26 = arith.constant 0 : i32
    %dma_start3A_27 = arith.constant 0 : i32
    %dma_start3A_28 = arith.constant 0 : i32
    %dma_start3A_29 = arith.constant 0 : i32
    %dma_start3A_30 = tpu.memref_slice %arg7[%dma_start3A_27, %dma_start3A_28, %dma_start3A_29] : memref<1x256x64xf32, #tpu.memory_space<vmem>> -> memref<1x128x64xf32, #tpu.memory_space<vmem>>
    %dma_start3A_31 = tpu.memref_squeeze %dma_start3A_30 : memref<1x128x64xf32, #tpu.memory_space<vmem>> -> memref<128x64xf32, #tpu.memory_space<vmem>>
    %dma_start3A_32 = arith.constant 256 : i32
    %dma_start3A_33 = tpu.memref_slice %arg5[%dma_start3A_26, %dma_start3A_32] : memref<50x512xi32, #tpu.memory_space<vmem>> -> memref<1x128xi32, #tpu.memory_space<vmem>>
    %dma_start3A_34 = tpu.memref_squeeze %dma_start3A_33 : memref<1x128xi32, #tpu.memory_space<vmem>> -> memref<128xi32, #tpu.memory_space<vmem>>
    %dma_start3A_35 = arith.constant 0 : i32
    %dma_start3A_36 = arith.constant 0 : i32
    %dma_start3A_37 = tpu.memref_slice %arg3[%dma_start3A_35, %dma_start3A_36] : memref<1015808x64xf32, #tpu.memory_space<hbm>> -> memref<1015808x64xf32, #tpu.memory_space<hbm>>
    tpu.enqueue_indirect_dma source(%dma_start3A_37 : memref<1015808x64xf32, #tpu.memory_space<hbm>>) target(%dma_start3A_31 : memref<128x64xf32, #tpu.memory_space<vmem>>) offsets(%dma_start3A_34 : memref<128xi32, #tpu.memory_space<vmem>>) semaphore(%arg10 : memref<!tpu.dma_semaphore, #tpu.memory_space<semaphore_mem>>)
    %dma_start3A_38 = arith.constant 0 : i32
    %dma_start3A_39 = arith.constant 0 : i32
    %dma_start3A_40 = arith.constant 128 : i32
    %dma_start3A_41 = arith.constant 0 : i32
    %dma_start3A_42 = tpu.memref_slice %arg7[%dma_start3A_39, %dma_start3A_40, %dma_start3A_41] : memref<1x256x64xf32, #tpu.memory_space<vmem>> -> memref<1x128x64xf32, #tpu.memory_space<vmem>>
    %dma_start3A_43 = tpu.memref_squeeze %dma_start3A_42 : memref<1x128x64xf32, #tpu.memory_space<vmem>> -> memref<128x64xf32, #tpu.memory_space<vmem>>
    %dma_start3A_44 = arith.constant 384 : i32
    %dma_start3A_45 = tpu.memref_slice %arg5[%dma_start3A_38, %dma_start3A_44] : memref<50x512xi32, #tpu.memory_space<vmem>> -> memref<1x128xi32, #tpu.memory_space<vmem>>
    %dma_start3A_46 = tpu.memref_squeeze %dma_start3A_45 : memref<1x128xi32, #tpu.memory_space<vmem>> -> memref<128xi32, #tpu.memory_space<vmem>>
    %dma_start3A_47 = arith.constant 0 : i32
    %dma_start3A_48 = arith.constant 0 : i32
    %dma_start3A_49 = tpu.memref_slice %arg3[%dma_start3A_47, %dma_start3A_48] : memref<1015808x64xf32, #tpu.memory_space<hbm>> -> memref<1015808x64xf32, #tpu.memory_space<hbm>>
    tpu.enqueue_indirect_dma source(%dma_start3A_49 : memref<1015808x64xf32, #tpu.memory_space<hbm>>) target(%dma_start3A_43 : memref<128x64xf32, #tpu.memory_space<vmem>>) offsets(%dma_start3A_46 : memref<128xi32, #tpu.memory_space<vmem>>) semaphore(%arg10 : memref<!tpu.dma_semaphore, #tpu.memory_space<semaphore_mem>>)
    %dma_wait3A = arith.constant 0 : i32
    %dma_wait3A_50 = arith.constant 0 : i32
    %dma_wait3A_51 = arith.constant 0 : i32
    %dma_wait3A_52 = arith.constant 0 : i32
    %dma_wait3A_53 = tpu.memref_slice %arg6[%dma_wait3A_50, %dma_wait3A_51, %dma_wait3A_52] : memref<1x256x64xf32, #tpu.memory_space<vmem>> -> memref<1x128x64xf32, #tpu.memory_space<vmem>>
    %dma_wait3A_54 = tpu.memref_squeeze %dma_wait3A_53 : memref<1x128x64xf32, #tpu.memory_space<vmem>> -> memref<128x64xf32, #tpu.memory_space<vmem>>
    %dma_wait3A_55 = arith.constant 0 : i32
    %dma_wait3A_56 = tpu.memref_slice %arg5[%dma_wait3A, %dma_wait3A_55] : memref<50x512xi32, #tpu.memory_space<vmem>> -> memref<1x128xi32, #tpu.memory_space<vmem>>
    %dma_wait3A_57 = tpu.memref_squeeze %dma_wait3A_56 : memref<1x128xi32, #tpu.memory_space<vmem>> -> memref<128xi32, #tpu.memory_space<vmem>>
    %dma_wait3A_58 = arith.constant 0 : i32
    %dma_wait3A_59 = arith.constant 0 : i32
    %dma_wait3A_60 = tpu.memref_slice %arg3[%dma_wait3A_58, %dma_wait3A_59] : memref<1015808x64xf32, #tpu.memory_space<hbm>> -> memref<1015808x64xf32, #tpu.memory_space<hbm>>
    tpu.wait_indirect_dma semaphore(%arg9 : memref<!tpu.dma_semaphore, #tpu.memory_space<semaphore_mem>>) src(%dma_wait3A_60 : memref<1015808x64xf32, #tpu.memory_space<hbm>>) dst(%dma_wait3A_54 : memref<128x64xf32, #tpu.memory_space<vmem>>)
    %dma_wait3A_61 = arith.constant 0 : i32
    %dma_wait3A_62 = arith.constant 0 : i32
    %dma_wait3A_63 = arith.constant 128 : i32
    %dma_wait3A_64 = arith.constant 0 : i32
    %dma_wait3A_65 = tpu.memref_slice %arg6[%dma_wait3A_62, %dma_wait3A_63, %dma_wait3A_64] : memref<1x256x64xf32, #tpu.memory_space<vmem>> -> memref<1x128x64xf32, #tpu.memory_space<vmem>>
    %dma_wait3A_66 = tpu.memref_squeeze %dma_wait3A_65 : memref<1x128x64xf32, #tpu.memory_space<vmem>> -> memref<128x64xf32, #tpu.memory_space<vmem>>
    %dma_wait3A_67 = arith.constant 128 : i32
    %dma_wait3A_68 = tpu.memref_slice %arg5[%dma_wait3A_61, %dma_wait3A_67] : memref<50x512xi32, #tpu.memory_space<vmem>> -> memref<1x128xi32, #tpu.memory_space<vmem>>
    %dma_wait3A_69 = tpu.memref_squeeze %dma_wait3A_68 : memref<1x128xi32, #tpu.memory_space<vmem>> -> memref<128xi32, #tpu.memory_space<vmem>>
    %dma_wait3A_70 = arith.constant 0 : i32
    %dma_wait3A_71 = arith.constant 0 : i32
    %dma_wait3A_72 = tpu.memref_slice %arg3[%dma_wait3A_70, %dma_wait3A_71] : memref<1015808x64xf32, #tpu.memory_space<hbm>> -> memref<1015808x64xf32, #tpu.memory_space<hbm>>
    tpu.wait_indirect_dma semaphore(%arg9 : memref<!tpu.dma_semaphore, #tpu.memory_space<semaphore_mem>>) src(%dma_wait3A_72 : memref<1015808x64xf32, #tpu.memory_space<hbm>>) dst(%dma_wait3A_66 : memref<128x64xf32, #tpu.memory_space<vmem>>)
    %add3A_73 = arith.constant 0 : i32
    %add3A_74 = arith.addi %mul3A_2, %add3A_73 : i32
    %dma_start3A_75 = arith.constant 0 : i32
    %dma_start3A_76 = arith.constant 0 : i32
    %dma_start3A_77 = tpu.memref_slice %arg4[%dma_start3A_75, %add3A_74, %dma_start3A_76] : memref<50x16384x64xf32, #tpu.memory_space<hbm>> -> memref<1x256x64xf32, #tpu.memory_space<hbm>>
    %dma_start3A_78 = arith.constant 0 : i32
    %dma_start3A_79 = arith.constant 0 : i32
    %dma_start3A_80 = tpu.memref_slice %arg4[%dma_start3A_78, %add3A_74, %dma_start3A_79] : memref<50x16384x64xf32, #tpu.memory_space<hbm>> -> memref<1x256x64xf32, #tpu.memory_space<hbm>>
    tpu.enqueue_dma source(%arg6 : memref<1x256x64xf32, #tpu.memory_space<vmem>>) target(%dma_start3A_80 : memref<1x256x64xf32, #tpu.memory_space<hbm>>) target_semaphore(%arg9 : memref<!tpu.dma_semaphore, #tpu.memory_space<semaphore_mem>>)
    %dma_start3A_81 = arith.constant 1 : i32
    %dma_start3A_82 = arith.constant 0 : i32
    %dma_start3A_83 = arith.constant 0 : i32
    %dma_start3A_84 = arith.constant 0 : i32
    %dma_start3A_85 = tpu.memref_slice %arg8[%dma_start3A_82, %dma_start3A_83, %dma_start3A_84] : memref<1x256x64xf32, #tpu.memory_space<vmem>> -> memref<1x128x64xf32, #tpu.memory_space<vmem>>
    %dma_start3A_86 = tpu.memref_squeeze %dma_start3A_85 : memref<1x128x64xf32, #tpu.memory_space<vmem>> -> memref<128x64xf32, #tpu.memory_space<vmem>>
    %dma_start3A_87 = arith.constant 0 : i32
    %dma_start3A_88 = tpu.memref_slice %arg5[%dma_start3A_81, %dma_start3A_87] : memref<50x512xi32, #tpu.memory_space<vmem>> -> memref<1x128xi32, #tpu.memory_space<vmem>>
    %dma_start3A_89 = tpu.memref_squeeze %dma_start3A_88 : memref<1x128xi32, #tpu.memory_space<vmem>> -> memref<128xi32, #tpu.memory_space<vmem>>
    %dma_start3A_90 = arith.constant 0 : i32
    %dma_start3A_91 = arith.constant 0 : i32
    %dma_start3A_92 = tpu.memref_slice %arg3[%dma_start3A_90, %dma_start3A_91] : memref<1015808x64xf32, #tpu.memory_space<hbm>> -> memref<1015808x64xf32, #tpu.memory_space<hbm>>
    tpu.enqueue_indirect_dma source(%dma_start3A_92 : memref<1015808x64xf32, #tpu.memory_space<hbm>>) target(%dma_start3A_86 : memref<128x64xf32, #tpu.memory_space<vmem>>) offsets(%dma_start3A_89 : memref<128xi32, #tpu.memory_space<vmem>>) semaphore(%arg11 : memref<!tpu.dma_semaphore, #tpu.memory_space<semaphore_mem>>)
    %dma_start3A_93 = arith.constant 1 : i32
    %dma_start3A_94 = arith.constant 0 : i32
    %dma_start3A_95 = arith.constant 128 : i32
    %dma_start3A_96 = arith.constant 0 : i32
    %dma_start3A_97 = tpu.memref_slice %arg8[%dma_start3A_94, %dma_start3A_95, %dma_start3A_96] : memref<1x256x64xf32, #tpu.memory_space<vmem>> -> memref<1x128x64xf32, #tpu.memory_space<vmem>>
    %dma_start3A_98 = tpu.memref_squeeze %dma_start3A_97 : memref<1x128x64xf32, #tpu.memory_space<vmem>> -> memref<128x64xf32, #tpu.memory_space<vmem>>
    %dma_start3A_99 = arith.constant 128 : i32
    %dma_start3A_100 = tpu.memref_slice %arg5[%dma_start3A_93, %dma_start3A_99] : memref<50x512xi32, #tpu.memory_space<vmem>> -> memref<1x128xi32, #tpu.memory_space<vmem>>
    %dma_start3A_101 = tpu.memref_squeeze %dma_start3A_100 : memref<1x128xi32, #tpu.memory_space<vmem>> -> memref<128xi32, #tpu.memory_space<vmem>>
    %dma_start3A_102 = arith.constant 0 : i32
    %dma_start3A_103 = arith.constant 0 : i32
    %dma_start3A_104 = tpu.memref_slice %arg3[%dma_start3A_102, %dma_start3A_103] : memref<1015808x64xf32, #tpu.memory_space<hbm>> -> memref<1015808x64xf32, #tpu.memory_space<hbm>>
    tpu.enqueue_indirect_dma source(%dma_start3A_104 : memref<1015808x64xf32, #tpu.memory_space<hbm>>) target(%dma_start3A_98 : memref<128x64xf32, #tpu.memory_space<vmem>>) offsets(%dma_start3A_101 : memref<128xi32, #tpu.memory_space<vmem>>) semaphore(%arg11 : memref<!tpu.dma_semaphore, #tpu.memory_space<semaphore_mem>>)
    %dma_wait3A_105 = arith.constant 0 : i32
    %dma_wait3A_106 = arith.constant 0 : i32
    %dma_wait3A_107 = arith.constant 0 : i32
    %dma_wait3A_108 = arith.constant 0 : i32
    %dma_wait3A_109 = tpu.memref_slice %arg7[%dma_wait3A_106, %dma_wait3A_107, %dma_wait3A_108] : memref<1x256x64xf32, #tpu.memory_space<vmem>> -> memref<1x128x64xf32, #tpu.memory_space<vmem>>
    %dma_wait3A_110 = tpu.memref_squeeze %dma_wait3A_109 : memref<1x128x64xf32, #tpu.memory_space<vmem>> -> memref<128x64xf32, #tpu.memory_space<vmem>>
    %dma_wait3A_111 = arith.constant 256 : i32
    %dma_wait3A_112 = tpu.memref_slice %arg5[%dma_wait3A_105, %dma_wait3A_111] : memref<50x512xi32, #tpu.memory_space<vmem>> -> memref<1x128xi32, #tpu.memory_space<vmem>>
    %dma_wait3A_113 = tpu.memref_squeeze %dma_wait3A_112 : memref<1x128xi32, #tpu.memory_space<vmem>> -> memref<128xi32, #tpu.memory_space<vmem>>
    %dma_wait3A_114 = arith.constant 0 : i32
    %dma_wait3A_115 = arith.constant 0 : i32
    %dma_wait3A_116 = tpu.memref_slice %arg3[%dma_wait3A_114, %dma_wait3A_115] : memref<1015808x64xf32, #tpu.memory_space<hbm>> -> memref<1015808x64xf32, #tpu.memory_space<hbm>>
    tpu.wait_indirect_dma semaphore(%arg10 : memref<!tpu.dma_semaphore, #tpu.memory_space<semaphore_mem>>) src(%dma_wait3A_116 : memref<1015808x64xf32, #tpu.memory_space<hbm>>) dst(%dma_wait3A_110 : memref<128x64xf32, #tpu.memory_space<vmem>>)
    %dma_wait3A_117 = arith.constant 0 : i32
    %dma_wait3A_118 = arith.constant 0 : i32
    %dma_wait3A_119 = arith.constant 128 : i32
    %dma_wait3A_120 = arith.constant 0 : i32
    %dma_wait3A_121 = tpu.memref_slice %arg7[%dma_wait3A_118, %dma_wait3A_119, %dma_wait3A_120] : memref<1x256x64xf32, #tpu.memory_space<vmem>> -> memref<1x128x64xf32, #tpu.memory_space<vmem>>
    %dma_wait3A_122 = tpu.memref_squeeze %dma_wait3A_121 : memref<1x128x64xf32, #tpu.memory_space<vmem>> -> memref<128x64xf32, #tpu.memory_space<vmem>>
    %dma_wait3A_123 = arith.constant 384 : i32
    %dma_wait3A_124 = tpu.memref_slice %arg5[%dma_wait3A_117, %dma_wait3A_123] : memref<50x512xi32, #tpu.memory_space<vmem>> -> memref<1x128xi32, #tpu.memory_space<vmem>>
    %dma_wait3A_125 = tpu.memref_squeeze %dma_wait3A_124 : memref<1x128xi32, #tpu.memory_space<vmem>> -> memref<128xi32, #tpu.memory_space<vmem>>
    %dma_wait3A_126 = arith.constant 0 : i32
    %dma_wait3A_127 = arith.constant 0 : i32
    %dma_wait3A_128 = tpu.memref_slice %arg3[%dma_wait3A_126, %dma_wait3A_127] : memref<1015808x64xf32, #tpu.memory_space<hbm>> -> memref<1015808x64xf32, #tpu.memory_space<hbm>>
    tpu.wait_indirect_dma semaphore(%arg10 : memref<!tpu.dma_semaphore, #tpu.memory_space<semaphore_mem>>) src(%dma_wait3A_128 : memref<1015808x64xf32, #tpu.memory_space<hbm>>) dst(%dma_wait3A_122 : memref<128x64xf32, #tpu.memory_space<vmem>>)
    %add3A_129 = arith.constant 256 : i32
    %add3A_130 = arith.addi %mul3A_2, %add3A_129 : i32
    %dma_start3A_131 = arith.constant 0 : i32
    %dma_start3A_132 = arith.constant 0 : i32
    %dma_start3A_133 = tpu.memref_slice %arg4[%dma_start3A_131, %add3A_130, %dma_start3A_132] : memref<50x16384x64xf32, #tpu.memory_space<hbm>> -> memref<1x256x64xf32, #tpu.memory_space<hbm>>
    %dma_start3A_134 = arith.constant 0 : i32
    %dma_start3A_135 = arith.constant 0 : i32
    %dma_start3A_136 = tpu.memref_slice %arg4[%dma_start3A_134, %add3A_130, %dma_start3A_135] : memref<50x16384x64xf32, #tpu.memory_space<hbm>> -> memref<1x256x64xf32, #tpu.memory_space<hbm>>
    tpu.enqueue_dma source(%arg7 : memref<1x256x64xf32, #tpu.memory_space<vmem>>) target(%dma_start3A_136 : memref<1x256x64xf32, #tpu.memory_space<hbm>>) target_semaphore(%arg10 : memref<!tpu.dma_semaphore, #tpu.memory_space<semaphore_mem>>)
    %add3A_137 = arith.constant 0 : i32
    %add3A_138 = arith.addi %mul3A_2, %add3A_137 : i32
    %dma_wait3A_139 = arith.constant 0 : i32
    %dma_wait3A_140 = arith.constant 0 : i32
    %dma_wait3A_141 = tpu.memref_slice %arg4[%dma_wait3A_139, %add3A_138, %dma_wait3A_140] : memref<50x16384x64xf32, #tpu.memory_space<hbm>> -> memref<1x256x64xf32, #tpu.memory_space<hbm>>
    %dma_wait3A_142 = arith.constant 0 : i32
    %dma_wait3A_143 = arith.constant 0 : i32
    %dma_wait3A_144 = tpu.memref_slice %arg4[%dma_wait3A_142, %add3A_138, %dma_wait3A_143] : memref<50x16384x64xf32, #tpu.memory_space<hbm>> -> memref<1x256x64xf32, #tpu.memory_space<hbm>>
    tpu.wait_dma2 semaphore(%arg9 : memref<!tpu.dma_semaphore, #tpu.memory_space<semaphore_mem>>) src(%arg6 : memref<1x256x64xf32, #tpu.memory_space<vmem>>) dst(%dma_wait3A_144 : memref<1x256x64xf32, #tpu.memory_space<hbm>>)
    %dma_start3A_145 = arith.constant 1 : i32
    %dma_start3A_146 = arith.constant 0 : i32
    %dma_start3A_147 = arith.constant 0 : i32
    %dma_start3A_148 = arith.constant 0 : i32
    %dma_start3A_149 = tpu.memref_slice %arg6[%dma_start3A_146, %dma_start3A_147, %dma_start3A_148] : memref<1x256x64xf32, #tpu.memory_space<vmem>> -> memref<1x128x64xf32, #tpu.memory_space<vmem>>
    %dma_start3A_150 = tpu.memref_squeeze %dma_start3A_149 : memref<1x128x64xf32, #tpu.memory_space<vmem>> -> memref<128x64xf32, #tpu.memory_space<vmem>>
    %dma_start3A_151 = arith.constant 256 : i32
    %dma_start3A_152 = tpu.memref_slice %arg5[%dma_start3A_145, %dma_start3A_151] : memref<50x512xi32, #tpu.memory_space<vmem>> -> memref<1x128xi32, #tpu.memory_space<vmem>>
    %dma_start3A_153 = tpu.memref_squeeze %dma_start3A_152 : memref<1x128xi32, #tpu.memory_space<vmem>> -> memref<128xi32, #tpu.memory_space<vmem>>
    %dma_start3A_154 = arith.constant 0 : i32
    %dma_start3A_155 = arith.constant 0 : i32
    %dma_start3A_156 = tpu.memref_slice %arg3[%dma_start3A_154, %dma_start3A_155] : memref<1015808x64xf32, #tpu.memory_space<hbm>> -> memref<1015808x64xf32, #tpu.memory_space<hbm>>
    tpu.enqueue_indirect_dma source(%dma_start3A_156 : memref<1015808x64xf32, #tpu.memory_space<hbm>>) target(%dma_start3A_150 : memref<128x64xf32, #tpu.memory_space<vmem>>) offsets(%dma_start3A_153 : memref<128xi32, #tpu.memory_space<vmem>>) semaphore(%arg9 : memref<!tpu.dma_semaphore, #tpu.memory_space<semaphore_mem>>)
    %dma_start3A_157 = arith.constant 1 : i32
    %dma_start3A_158 = arith.constant 0 : i32
    %dma_start3A_159 = arith.constant 128 : i32
    %dma_start3A_160 = arith.constant 0 : i32
    %dma_start3A_161 = tpu.memref_slice %arg6[%dma_start3A_158, %dma_start3A_159, %dma_start3A_160] : memref<1x256x64xf32, #tpu.memory_space<vmem>> -> memref<1x128x64xf32, #tpu.memory_space<vmem>>
    %dma_start3A_162 = tpu.memref_squeeze %dma_start3A_161 : memref<1x128x64xf32, #tpu.memory_space<vmem>> -> memref<128x64xf32, #tpu.memory_space<vmem>>
    %dma_start3A_163 = arith.constant 384 : i32
    %dma_start3A_164 = tpu.memref_slice %arg5[%dma_start3A_157, %dma_start3A_163] : memref<50x512xi32, #tpu.memory_space<vmem>> -> memref<1x128xi32, #tpu.memory_space<vmem>>
    %dma_start3A_165 = tpu.memref_squeeze %dma_start3A_164 : memref<1x128xi32, #tpu.memory_space<vmem>> -> memref<128xi32, #tpu.memory_space<vmem>>
    %dma_start3A_166 = arith.constant 0 : i32
    %dma_start3A_167 = arith.constant 0 : i32
    %dma_start3A_168 = tpu.memref_slice %arg3[%dma_start3A_166, %dma_start3A_167] : memref<1015808x64xf32, #tpu.memory_space<hbm>> -> memref<1015808x64xf32, #tpu.memory_space<hbm>>
    tpu.enqueue_indirect_dma source(%dma_start3A_168 : memref<1015808x64xf32, #tpu.memory_space<hbm>>) target(%dma_start3A_162 : memref<128x64xf32, #tpu.memory_space<vmem>>) offsets(%dma_start3A_165 : memref<128xi32, #tpu.memory_space<vmem>>) semaphore(%arg9 : memref<!tpu.dma_semaphore, #tpu.memory_space<semaphore_mem>>)
    %dma_wait3A_169 = arith.constant 1 : i32
    %dma_wait3A_170 = arith.constant 0 : i32
    %dma_wait3A_171 = arith.constant 0 : i32
    %dma_wait3A_172 = arith.constant 0 : i32
    %dma_wait3A_173 = tpu.memref_slice %arg8[%dma_wait3A_170, %dma_wait3A_171, %dma_wait3A_172] : memref<1x256x64xf32, #tpu.memory_space<vmem>> -> memref<1x128x64xf32, #tpu.memory_space<vmem>>
    %dma_wait3A_174 = tpu.memref_squeeze %dma_wait3A_173 : memref<1x128x64xf32, #tpu.memory_space<vmem>> -> memref<128x64xf32, #tpu.memory_space<vmem>>
    %dma_wait3A_175 = arith.constant 0 : i32
    %dma_wait3A_176 = tpu.memref_slice %arg5[%dma_wait3A_169, %dma_wait3A_175] : memref<50x512xi32, #tpu.memory_space<vmem>> -> memref<1x128xi32, #tpu.memory_space<vmem>>
    %dma_wait3A_177 = tpu.memref_squeeze %dma_wait3A_176 : memref<1x128xi32, #tpu.memory_space<vmem>> -> memref<128xi32, #tpu.memory_space<vmem>>
    %dma_wait3A_178 = arith.constant 0 : i32
    %dma_wait3A_179 = arith.constant 0 : i32
    %dma_wait3A_180 = tpu.memref_slice %arg3[%dma_wait3A_178, %dma_wait3A_179] : memref<1015808x64xf32, #tpu.memory_space<hbm>> -> memref<1015808x64xf32, #tpu.memory_space<hbm>>
    tpu.wait_indirect_dma semaphore(%arg11 : memref<!tpu.dma_semaphore, #tpu.memory_space<semaphore_mem>>) src(%dma_wait3A_180 : memref<1015808x64xf32, #tpu.memory_space<hbm>>) dst(%dma_wait3A_174 : memref<128x64xf32, #tpu.memory_space<vmem>>)
    %dma_wait3A_181 = arith.constant 1 : i32
    %dma_wait3A_182 = arith.constant 0 : i32
    %dma_wait3A_183 = arith.constant 128 : i32
    %dma_wait3A_184 = arith.constant 0 : i32
    %dma_wait3A_185 = tpu.memref_slice %arg8[%dma_wait3A_182, %dma_wait3A_183, %dma_wait3A_184] : memref<1x256x64xf32, #tpu.memory_space<vmem>> -> memref<1x128x64xf32, #tpu.memory_space<vmem>>
    %dma_wait3A_186 = tpu.memref_squeeze %dma_wait3A_185 : memref<1x128x64xf32, #tpu.memory_space<vmem>> -> memref<128x64xf32, #tpu.memory_space<vmem>>
    %dma_wait3A_187 = arith.constant 128 : i32
    %dma_wait3A_188 = tpu.memref_slice %arg5[%dma_wait3A_181, %dma_wait3A_187] : memref<50x512xi32, #tpu.memory_space<vmem>> -> memref<1x128xi32, #tpu.memory_space<vmem>>
    %dma_wait3A_189 = tpu.memref_squeeze %dma_wait3A_188 : memref<1x128xi32, #tpu.memory_space<vmem>> -> memref<128xi32, #tpu.memory_space<vmem>>
    %dma_wait3A_190 = arith.constant 0 : i32
    %dma_wait3A_191 = arith.constant 0 : i32
    %dma_wait3A_192 = tpu.memref_slice %arg3[%dma_wait3A_190, %dma_wait3A_191] : memref<1015808x64xf32, #tpu.memory_space<hbm>> -> memref<1015808x64xf32, #tpu.memory_space<hbm>>
    tpu.wait_indirect_dma semaphore(%arg11 : memref<!tpu.dma_semaphore, #tpu.memory_space<semaphore_mem>>) src(%dma_wait3A_192 : memref<1015808x64xf32, #tpu.memory_space<hbm>>) dst(%dma_wait3A_186 : memref<128x64xf32, #tpu.memory_space<vmem>>)
    %add3A_193 = arith.constant 0 : i32
    %add3A_194 = arith.addi %mul3A_2, %add3A_193 : i32
    %dma_start3A_195 = arith.constant 1 : i32
    %dma_start3A_196 = arith.constant 0 : i32
    %dma_start3A_197 = tpu.memref_slice %arg4[%dma_start3A_195, %add3A_194, %dma_start3A_196] : memref<50x16384x64xf32, #tpu.memory_space<hbm>> -> memref<1x256x64xf32, #tpu.memory_space<hbm>>
    %dma_start3A_198 = arith.constant 1 : i32
    %dma_start3A_199 = arith.constant 0 : i32
    %dma_start3A_200 = tpu.memref_slice %arg4[%dma_start3A_198, %add3A_194, %dma_start3A_199] : memref<50x16384x64xf32, #tpu.memory_space<hbm>> -> memref<1x256x64xf32, #tpu.memory_space<hbm>>
    tpu.enqueue_dma source(%arg8 : memref<1x256x64xf32, #tpu.memory_space<vmem>>) target(%dma_start3A_200 : memref<1x256x64xf32, #tpu.memory_space<hbm>>) target_semaphore(%arg11 : memref<!tpu.dma_semaphore, #tpu.memory_space<semaphore_mem>>)
    %add3A_201 = arith.constant 256 : i32
    %add3A_202 = arith.addi %mul3A_2, %add3A_201 : i32
    %dma_wait3A_203 = arith.constant 0 : i32
    %dma_wait3A_204 = arith.constant 0 : i32
    %dma_wait3A_205 = tpu.memref_slice %arg4[%dma_wait3A_203, %add3A_202, %dma_wait3A_204] : memref<50x16384x64xf32, #tpu.memory_space<hbm>> -> memref<1x256x64xf32, #tpu.memory_space<hbm>>
    %dma_wait3A_206 = arith.constant 0 : i32
    %dma_wait3A_207 = arith.constant 0 : i32
    %dma_wait3A_208 = tpu.memref_slice %arg4[%dma_wait3A_206, %add3A_202, %dma_wait3A_207] : memref<50x16384x64xf32, #tpu.memory_space<hbm>> -> memref<1x256x64xf32, #tpu.memory_space<hbm>>
    tpu.wait_dma2 semaphore(%arg10 : memref<!tpu.dma_semaphore, #tpu.memory_space<semaphore_mem>>) src(%arg7 : memref<1x256x64xf32, #tpu.memory_space<vmem>>) dst(%dma_wait3A_208 : memref<1x256x64xf32, #tpu.memory_space<hbm>>)
    %dma_start3A_209 = arith.constant 2 : i32
    %dma_start3A_210 = arith.constant 0 : i32
    %dma_start3A_211 = arith.constant 0 : i32
    %dma_start3A_212 = arith.constant 0 : i32
    %dma_start3A_213 = tpu.memref_slice %arg7[%dma_start3A_210, %dma_start3A_211, %dma_start3A_212] : memref<1x256x64xf32, #tpu.memory_space<vmem>> -> memref<1x128x64xf32, #tpu.memory_space<vmem>>
    %dma_start3A_214 = tpu.memref_squeeze %dma_start3A_213 : memref<1x128x64xf32, #tpu.memory_space<vmem>> -> memref<128x64xf32, #tpu.memory_space<vmem>>
    %dma_start3A_215 = arith.constant 0 : i32
    %dma_start3A_216 = tpu.memref_slice %arg5[%dma_start3A_209, %dma_start3A_215] : memref<50x512xi32, #tpu.memory_space<vmem>> -> memref<1x128xi32, #tpu.memory_space<vmem>>
    %dma_start3A_217 = tpu.memref_squeeze %dma_start3A_216 : memref<1x128xi32, #tpu.memory_space<vmem>> -> memref<128xi32, #tpu.memory_space<vmem>>
    %dma_start3A_218 = arith.constant 0 : i32
    %dma_start3A_219 = arith.constant 0 : i32
    %dma_start3A_220 = tpu.memref_slice %arg3[%dma_start3A_218, %dma_start3A_219] : memref<1015808x64xf32, #tpu.memory_space<hbm>> -> memref<1015808x64xf32, #tpu.memory_space<hbm>>
    tpu.enqueue_indirect_dma source(%dma_start3A_220 : memref<1015808x64xf32, #tpu.memory_space<hbm>>) target(%dma_start3A_214 : memref<128x64xf32, #tpu.memory_space<vmem>>) offsets(%dma_start3A_217 : memref<128xi32, #tpu.memory_space<vmem>>) semaphore(%arg10 : memref<!tpu.dma_semaphore, #tpu.memory_space<semaphore_mem>>)
    %dma_start3A_221 = arith.constant 2 : i32
    %dma_start3A_222 = arith.constant 0 : i32
    %dma_start3A_223 = arith.constant 128 : i32
    %dma_start3A_224 = arith.constant 0 : i32
    %dma_start3A_225 = tpu.memref_slice %arg7[%dma_start3A_222, %dma_start3A_223, %dma_start3A_224] : memref<1x256x64xf32, #tpu.memory_space<vmem>> -> memref<1x128x64xf32, #tpu.memory_space<vmem>>
    %dma_start3A_226 = tpu.memref_squeeze %dma_start3A_225 : memref<1x128x64xf32, #tpu.memory_space<vmem>> -> memref<128x64xf32, #tpu.memory_space<vmem>>
    %dma_start3A_227 = arith.constant 128 : i32
    %dma_start3A_228 = tpu.memref_slice %arg5[%dma_start3A_221, %dma_start3A_227] : memref<50x512xi32, #tpu.memory_space<vmem>> -> memref<1x128xi32, #tpu.memory_space<vmem>>
    %dma_start3A_229 = tpu.memref_squeeze %dma_start3A_228 : memref<1x128xi32, #tpu.memory_space<vmem>> -> memref<128xi32, #tpu.memory_space<vmem>>
    %dma_start3A_230 = arith.constant 0 : i32
    %dma_start3A_231 = arith.constant 0 : i32
    %dma_start3A_232 = tpu.memref_slice %arg3[%dma_start3A_230, %dma_start3A_231] : memref<1015808x64xf32, #tpu.memory_space<hbm>> -> memref<1015808x64xf32, #tpu.memory_space<hbm>>
    tpu.enqueue_indirect_dma source(%dma_start3A_232 : memref<1015808x64xf32, #tpu.memory_space<hbm>>) target(%dma_start3A_226 : memref<128x64xf32, #tpu.memory_space<vmem>>) offsets(%dma_start3A_229 : memref<128xi32, #tpu.memory_space<vmem>>) semaphore(%arg10 : memref<!tpu.dma_semaphore, #tpu.memory_space<semaphore_mem>>)
    %dma_wait3A_233 = arith.constant 1 : i32
    %dma_wait3A_234 = arith.constant 0 : i32
    %dma_wait3A_235 = arith.constant 0 : i32
    %dma_wait3A_236 = arith.constant 0 : i32
    %dma_wait3A_237 = tpu.memref_slice %arg6[%dma_wait3A_234, %dma_wait3A_235, %dma_wait3A_236] : memref<1x256x64xf32, #tpu.memory_space<vmem>> -> memref<1x128x64xf32, #tpu.memory_space<vmem>>
    %dma_wait3A_238 = tpu.memref_squeeze %dma_wait3A_237 : memref<1x128x64xf32, #tpu.memory_space<vmem>> -> memref<128x64xf32, #tpu.memory_space<vmem>>
    %dma_wait3A_239 = arith.constant 256 : i32
    %dma_wait3A_240 = tpu.memref_slice %arg5[%dma_wait3A_233, %dma_wait3A_239] : memref<50x512xi32, #tpu.memory_space<vmem>> -> memref<1x128xi32, #tpu.memory_space<vmem>>
    %dma_wait3A_241 = tpu.memref_squeeze %dma_wait3A_240 : memref<1x128xi32, #tpu.memory_space<vmem>> -> memref<128xi32, #tpu.memory_space<vmem>>
    %dma_wait3A_242 = arith.constant 0 : i32
    %dma_wait3A_243 = arith.constant 0 : i32
    %dma_wait3A_244 = tpu.memref_slice %arg3[%dma_wait3A_242, %dma_wait3A_243] : memref<1015808x64xf32, #tpu.memory_space<hbm>> -> memref<1015808x64xf32, #tpu.memory_space<hbm>>
    tpu.wait_indirect_dma semaphore(%arg9 : memref<!tpu.dma_semaphore, #tpu.memory_space<semaphore_mem>>) src(%dma_wait3A_244 : memref<1015808x64xf32, #tpu.memory_space<hbm>>) dst(%dma_wait3A_238 : memref<128x64xf32, #tpu.memory_space<vmem>>)
    %dma_wait3A_245 = arith.constant 1 : i32
    %dma_wait3A_246 = arith.constant 0 : i32
    %dma_wait3A_247 = arith.constant 128 : i32
    %dma_wait3A_248 = arith.constant 0 : i32
    %dma_wait3A_249 = tpu.memref_slice %arg6[%dma_wait3A_246, %dma_wait3A_247, %dma_wait3A_248] : memref<1x256x64xf32, #tpu.memory_space<vmem>> -> memref<1x128x64xf32, #tpu.memory_space<vmem>>
    %dma_wait3A_250 = tpu.memref_squeeze %dma_wait3A_249 : memref<1x128x64xf32, #tpu.memory_space<vmem>> -> memref<128x64xf32, #tpu.memory_space<vmem>>
    %dma_wait3A_251 = arith.constant 384 : i32
    %dma_wait3A_252 = tpu.memref_slice %arg5[%dma_wait3A_245, %dma_wait3A_251] : memref<50x512xi32, #tpu.memory_space<vmem>> -> memref<1x128xi32, #tpu.memory_space<vmem>>
    %dma_wait3A_253 = tpu.memref_squeeze %dma_wait3A_252 : memref<1x128xi32, #tpu.memory_space<vmem>> -> memref<128xi32, #tpu.memory_space<vmem>>
    %dma_wait3A_254 = arith.constant 0 : i32
    %dma_wait3A_255 = arith.constant 0 : i32
    %dma_wait3A_256 = tpu.memref_slice %arg3[%dma_wait3A_254, %dma_wait3A_255] : memref<1015808x64xf32, #tpu.memory_space<hbm>> -> memref<1015808x64xf32, #tpu.memory_space<hbm>>
    tpu.wait_indirect_dma semaphore(%arg9 : memref<!tpu.dma_semaphore, #tpu.memory_space<semaphore_mem>>) src(%dma_wait3A_256 : memref<1015808x64xf32, #tpu.memory_space<hbm>>) dst(%dma_wait3A_250 : memref<128x64xf32, #tpu.memory_space<vmem>>)
    %add3A_257 = arith.constant 256 : i32
    %add3A_258 = arith.addi %mul3A_2, %add3A_257 : i32
    %dma_start3A_259 = arith.constant 1 : i32
    %dma_start3A_260 = arith.constant 0 : i32
    %dma_start3A_261 = tpu.memref_slice %arg4[%dma_start3A_259, %add3A_258, %dma_start3A_260] : memref<50x16384x64xf32, #tpu.memory_space<hbm>> -> memref<1x256x64xf32, #tpu.memory_space<hbm>>
    %dma_start3A_262 = arith.constant 1 : i32
    %dma_start3A_263 = arith.constant 0 : i32
    %dma_start3A_264 = tpu.memref_slice %arg4[%dma_start3A_262, %add3A_258, %dma_start3A_263] : memref<50x16384x64xf32, #tpu.memory_space<hbm>> -> memref<1x256x64xf32, #tpu.memory_space<hbm>>
    tpu.enqueue_dma source(%arg6 : memref<1x256x64xf32, #tpu.memory_space<vmem>>) target(%dma_start3A_264 : memref<1x256x64xf32, #tpu.memory_space<hbm>>) target_semaphore(%arg9 : memref<!tpu.dma_semaphore, #tpu.memory_space<semaphore_mem>>)
    %scan3A = arith.constant 0 : i32
    %scan3A_265 = arith.constant 31 : i32
    %scan3A_266 = arith.addi %scan3A, %scan3A_265 : i32
    %scan3A_267 = arith.constant 1 : i32
    scf.for %scan3A_453 = %scan3A to %scan3A_266 step %scan3A_267  : i32 {
      %mul3A_454 = arith.constant 3 : i32
      %mul3A_455 = arith.muli %mul3A_454, %scan3A_453 : i32
      %add3A_456 = arith.constant 4 : i32
      %add3A_457 = arith.addi %add3A_456, %mul3A_455 : i32
      %sub3A = arith.constant 2 : i32
      %sub3A_458 = arith.subi %add3A_457, %sub3A : i32
      %jit3A = arith.constant 2 : i32
      %div3A = arith.divsi %sub3A_458, %jit3A : i32
      %sign3A = arith.constant 0 : i32
      %sign3A_459 = arith.cmpi sgt, %sub3A_458, %sign3A : i32
      %sign3A_460 = arith.extui %sign3A_459 : i1 to i32
      %sign3A_461 = arith.constant 0 : i32
      %sign3A_462 = arith.cmpi slt, %sub3A_458, %sign3A_461 : i32
      %sign3A_463 = arith.extui %sign3A_462 : i1 to i32
      %sign3A_464 = arith.subi %sign3A_460, %sign3A_463 : i32
      %sign3A_465 = arith.constant 0 : i32
      %sign3A_466 = arith.cmpi sgt, %jit3A, %sign3A_465 : i32
      %sign3A_467 = arith.extui %sign3A_466 : i1 to i32
      %sign3A_468 = arith.constant 0 : i32
      %sign3A_469 = arith.cmpi slt, %jit3A, %sign3A_468 : i32
      %sign3A_470 = arith.extui %sign3A_469 : i1 to i32
      %sign3A_471 = arith.subi %sign3A_467, %sign3A_470 : i32
      %ne3A = arith.cmpi ne, %sign3A_464, %sign3A_471 : i32
      %rem3A = arith.remsi %sub3A_458, %jit3A : i32
      %ne3A_472 = arith.constant 0 : i32
      %ne3A_473 = arith.cmpi ne, %rem3A, %ne3A_472 : i32
      %and3A = arith.andi %ne3A, %ne3A_473 : i1
      %sub3A_474 = arith.constant 1 : i32
      %sub3A_475 = arith.subi %div3A, %sub3A_474 : i32
      %select_n3A = arith.select %and3A, %sub3A_475, %div3A : i32
      %jit3A_476 = arith.constant 2 : i32
      %eq3A = arith.constant 0 : i32
      %eq3A_477 = arith.cmpi eq, %jit3A_476, %eq3A : i32
      %jit3A_478 = arith.constant 1 : i32
      %select_n3A_479 = arith.select %eq3A_477, %jit3A_478, %jit3A_476 : i32
      %rem3A_480 = arith.remsi %sub3A_458, %select_n3A_479 : i32
      %ne3A_481 = arith.constant 0 : i32
      %ne3A_482 = arith.cmpi ne, %rem3A_480, %ne3A_481 : i32
      %lt3A = arith.constant 0 : i32
      %lt3A_483 = arith.cmpi slt, %rem3A_480, %lt3A : i32
      %lt3A_484 = arith.constant 0 : i32
      %lt3A_485 = arith.cmpi slt, %select_n3A_479, %lt3A_484 : i32
      %ne3A_486 = arith.xori %lt3A_483, %lt3A_485 : i1
      %and3A_487 = arith.andi %ne3A_486, %ne3A_482 : i1
      %add3A_488 = arith.addi %rem3A_480, %select_n3A_479 : i32
      %select_n3A_489 = arith.select %and3A_487, %add3A_488, %rem3A_480 : i32
      %mul3A_490 = arith.constant 256 : i32
      %mul3A_491 = arith.muli %select_n3A_489, %mul3A_490 : i32
      %add3A_492 = arith.addi %mul3A_2, %mul3A_491 : i32
      %dma_wait3A_493 = arith.constant 0 : i32
      %dma_wait3A_494 = tpu.memref_slice %arg4[%select_n3A, %add3A_492, %dma_wait3A_493] : memref<50x16384x64xf32, #tpu.memory_space<hbm>> -> memref<1x256x64xf32, #tpu.memory_space<hbm>>
      %dma_wait3A_495 = arith.constant 0 : i32
      %dma_wait3A_496 = tpu.memref_slice %arg4[%select_n3A, %add3A_492, %dma_wait3A_495] : memref<50x16384x64xf32, #tpu.memory_space<hbm>> -> memref<1x256x64xf32, #tpu.memory_space<hbm>>
      tpu.wait_dma2 semaphore(%arg11 : memref<!tpu.dma_semaphore, #tpu.memory_space<semaphore_mem>>) src(%arg8 : memref<1x256x64xf32, #tpu.memory_space<vmem>>) dst(%dma_wait3A_496 : memref<1x256x64xf32, #tpu.memory_space<hbm>>)
      %add3A_497 = arith.constant 1 : i32
      %add3A_498 = arith.addi %add3A_457, %add3A_497 : i32
      %jit3A_499 = arith.constant 2 : i32
      %div3A_500 = arith.divsi %add3A_498, %jit3A_499 : i32
      %sign3A_501 = arith.constant 0 : i32
      %sign3A_502 = arith.cmpi sgt, %add3A_498, %sign3A_501 : i32
      %sign3A_503 = arith.extui %sign3A_502 : i1 to i32
      %sign3A_504 = arith.constant 0 : i32
      %sign3A_505 = arith.cmpi slt, %add3A_498, %sign3A_504 : i32
      %sign3A_506 = arith.extui %sign3A_505 : i1 to i32
      %sign3A_507 = arith.subi %sign3A_503, %sign3A_506 : i32
      %sign3A_508 = arith.constant 0 : i32
      %sign3A_509 = arith.cmpi sgt, %jit3A_499, %sign3A_508 : i32
      %sign3A_510 = arith.extui %sign3A_509 : i1 to i32
      %sign3A_511 = arith.constant 0 : i32
      %sign3A_512 = arith.cmpi slt, %jit3A_499, %sign3A_511 : i32
      %sign3A_513 = arith.extui %sign3A_512 : i1 to i32
      %sign3A_514 = arith.subi %sign3A_510, %sign3A_513 : i32
      %ne3A_515 = arith.cmpi ne, %sign3A_507, %sign3A_514 : i32
      %rem3A_516 = arith.remsi %add3A_498, %jit3A_499 : i32
      %ne3A_517 = arith.constant 0 : i32
      %ne3A_518 = arith.cmpi ne, %rem3A_516, %ne3A_517 : i32
      %and3A_519 = arith.andi %ne3A_515, %ne3A_518 : i1
      %sub3A_520 = arith.constant 1 : i32
      %sub3A_521 = arith.subi %div3A_500, %sub3A_520 : i32
      %select_n3A_522 = arith.select %and3A_519, %sub3A_521, %div3A_500 : i32
      %jit3A_523 = arith.constant 2 : i32
      %eq3A_524 = arith.constant 0 : i32
      %eq3A_525 = arith.cmpi eq, %jit3A_523, %eq3A_524 : i32
      %jit3A_526 = arith.constant 1 : i32
      %select_n3A_527 = arith.select %eq3A_525, %jit3A_526, %jit3A_523 : i32
      %rem3A_528 = arith.remsi %add3A_498, %select_n3A_527 : i32
      %ne3A_529 = arith.constant 0 : i32
      %ne3A_530 = arith.cmpi ne, %rem3A_528, %ne3A_529 : i32
      %lt3A_531 = arith.constant 0 : i32
      %lt3A_532 = arith.cmpi slt, %rem3A_528, %lt3A_531 : i32
      %lt3A_533 = arith.constant 0 : i32
      %lt3A_534 = arith.cmpi slt, %select_n3A_527, %lt3A_533 : i32
      %ne3A_535 = arith.xori %lt3A_532, %lt3A_534 : i1
      %and3A_536 = arith.andi %ne3A_535, %ne3A_530 : i1
      %add3A_537 = arith.addi %rem3A_528, %select_n3A_527 : i32
      %select_n3A_538 = arith.select %and3A_536, %add3A_537, %rem3A_528 : i32
      %mul3A_539 = arith.constant 256 : i32
      %mul3A_540 = arith.muli %select_n3A_538, %mul3A_539 : i32
      %add3A_541 = arith.constant 0 : i32
      %add3A_542 = arith.addi %mul3A_540, %add3A_541 : i32
      %dma_start3A_543 = arith.constant 0 : i32
      %dma_start3A_544 = arith.constant 0 : i32
      %dma_start3A_545 = arith.constant 0 : i32
      %dma_start3A_546 = tpu.memref_slice %arg8[%dma_start3A_543, %dma_start3A_544, %dma_start3A_545] : memref<1x256x64xf32, #tpu.memory_space<vmem>> -> memref<1x128x64xf32, #tpu.memory_space<vmem>>
      %dma_start3A_547 = tpu.memref_squeeze %dma_start3A_546 : memref<1x128x64xf32, #tpu.memory_space<vmem>> -> memref<128x64xf32, #tpu.memory_space<vmem>>
      %dma_start3A_548 = tpu.memref_slice %arg5[%select_n3A_522, %add3A_542] : memref<50x512xi32, #tpu.memory_space<vmem>> -> memref<1x128xi32, #tpu.memory_space<vmem>>
      %dma_start3A_549 = tpu.memref_squeeze %dma_start3A_548 : memref<1x128xi32, #tpu.memory_space<vmem>> -> memref<128xi32, #tpu.memory_space<vmem>>
      %dma_start3A_550 = arith.constant 0 : i32
      %dma_start3A_551 = arith.constant 0 : i32
      %dma_start3A_552 = tpu.memref_slice %arg3[%dma_start3A_550, %dma_start3A_551] : memref<1015808x64xf32, #tpu.memory_space<hbm>> -> memref<1015808x64xf32, #tpu.memory_space<hbm>>
      tpu.enqueue_indirect_dma source(%dma_start3A_552 : memref<1015808x64xf32, #tpu.memory_space<hbm>>) target(%dma_start3A_547 : memref<128x64xf32, #tpu.memory_space<vmem>>) offsets(%dma_start3A_549 : memref<128xi32, #tpu.memory_space<vmem>>) semaphore(%arg11 : memref<!tpu.dma_semaphore, #tpu.memory_space<semaphore_mem>>)
      %mul3A_553 = arith.constant 256 : i32
      %mul3A_554 = arith.muli %select_n3A_538, %mul3A_553 : i32
      %add3A_555 = arith.constant 128 : i32
      %add3A_556 = arith.addi %mul3A_554, %add3A_555 : i32
      %dma_start3A_557 = arith.constant 0 : i32
      %dma_start3A_558 = arith.constant 128 : i32
      %dma_start3A_559 = arith.constant 0 : i32
      %dma_start3A_560 = tpu.memref_slice %arg8[%dma_start3A_557, %dma_start3A_558, %dma_start3A_559] : memref<1x256x64xf32, #tpu.memory_space<vmem>> -> memref<1x128x64xf32, #tpu.memory_space<vmem>>
      %dma_start3A_561 = tpu.memref_squeeze %dma_start3A_560 : memref<1x128x64xf32, #tpu.memory_space<vmem>> -> memref<128x64xf32, #tpu.memory_space<vmem>>
      %dma_start3A_562 = tpu.memref_slice %arg5[%select_n3A_522, %add3A_556] : memref<50x512xi32, #tpu.memory_space<vmem>> -> memref<1x128xi32, #tpu.memory_space<vmem>>
      %dma_start3A_563 = tpu.memref_squeeze %dma_start3A_562 : memref<1x128xi32, #tpu.memory_space<vmem>> -> memref<128xi32, #tpu.memory_space<vmem>>
      %dma_start3A_564 = arith.constant 0 : i32
      %dma_start3A_565 = arith.constant 0 : i32
      %dma_start3A_566 = tpu.memref_slice %arg3[%dma_start3A_564, %dma_start3A_565] : memref<1015808x64xf32, #tpu.memory_space<hbm>> -> memref<1015808x64xf32, #tpu.memory_space<hbm>>
      tpu.enqueue_indirect_dma source(%dma_start3A_566 : memref<1015808x64xf32, #tpu.memory_space<hbm>>) target(%dma_start3A_561 : memref<128x64xf32, #tpu.memory_space<vmem>>) offsets(%dma_start3A_563 : memref<128xi32, #tpu.memory_space<vmem>>) semaphore(%arg11 : memref<!tpu.dma_semaphore, #tpu.memory_space<semaphore_mem>>)
      %jit3A_567 = arith.constant 2 : i32
      %div3A_568 = arith.divsi %add3A_457, %jit3A_567 : i32
      %sign3A_569 = arith.constant 0 : i32
      %sign3A_570 = arith.cmpi sgt, %add3A_457, %sign3A_569 : i32
      %sign3A_571 = arith.extui %sign3A_570 : i1 to i32
      %sign3A_572 = arith.constant 0 : i32
      %sign3A_573 = arith.cmpi slt, %add3A_457, %sign3A_572 : i32
      %sign3A_574 = arith.extui %sign3A_573 : i1 to i32
      %sign3A_575 = arith.subi %sign3A_571, %sign3A_574 : i32
      %sign3A_576 = arith.constant 0 : i32
      %sign3A_577 = arith.cmpi sgt, %jit3A_567, %sign3A_576 : i32
      %sign3A_578 = arith.extui %sign3A_577 : i1 to i32
      %sign3A_579 = arith.constant 0 : i32
      %sign3A_580 = arith.cmpi slt, %jit3A_567, %sign3A_579 : i32
      %sign3A_581 = arith.extui %sign3A_580 : i1 to i32
      %sign3A_582 = arith.subi %sign3A_578, %sign3A_581 : i32
      %ne3A_583 = arith.cmpi ne, %sign3A_575, %sign3A_582 : i32
      %rem3A_584 = arith.remsi %add3A_457, %jit3A_567 : i32
      %ne3A_585 = arith.constant 0 : i32
      %ne3A_586 = arith.cmpi ne, %rem3A_584, %ne3A_585 : i32
      %and3A_587 = arith.andi %ne3A_583, %ne3A_586 : i1
      %sub3A_588 = arith.constant 1 : i32
      %sub3A_589 = arith.subi %div3A_568, %sub3A_588 : i32
      %select_n3A_590 = arith.select %and3A_587, %sub3A_589, %div3A_568 : i32
      %jit3A_591 = arith.constant 2 : i32
      %eq3A_592 = arith.constant 0 : i32
      %eq3A_593 = arith.cmpi eq, %jit3A_591, %eq3A_592 : i32
      %jit3A_594 = arith.constant 1 : i32
      %select_n3A_595 = arith.select %eq3A_593, %jit3A_594, %jit3A_591 : i32
      %rem3A_596 = arith.remsi %add3A_457, %select_n3A_595 : i32
      %ne3A_597 = arith.constant 0 : i32
      %ne3A_598 = arith.cmpi ne, %rem3A_596, %ne3A_597 : i32
      %lt3A_599 = arith.constant 0 : i32
      %lt3A_600 = arith.cmpi slt, %rem3A_596, %lt3A_599 : i32
      %lt3A_601 = arith.constant 0 : i32
      %lt3A_602 = arith.cmpi slt, %select_n3A_595, %lt3A_601 : i32
      %ne3A_603 = arith.xori %lt3A_600, %lt3A_602 : i1
      %and3A_604 = arith.andi %ne3A_603, %ne3A_598 : i1
      %add3A_605 = arith.addi %rem3A_596, %select_n3A_595 : i32
      %select_n3A_606 = arith.select %and3A_604, %add3A_605, %rem3A_596 : i32
      %mul3A_607 = arith.constant 256 : i32
      %mul3A_608 = arith.muli %select_n3A_606, %mul3A_607 : i32
      %add3A_609 = arith.constant 0 : i32
      %add3A_610 = arith.addi %mul3A_608, %add3A_609 : i32
      %dma_wait3A_611 = arith.constant 0 : i32
      %dma_wait3A_612 = arith.constant 0 : i32
      %dma_wait3A_613 = arith.constant 0 : i32
      %dma_wait3A_614 = tpu.memref_slice %arg7[%dma_wait3A_611, %dma_wait3A_612, %dma_wait3A_613] : memref<1x256x64xf32, #tpu.memory_space<vmem>> -> memref<1x128x64xf32, #tpu.memory_space<vmem>>
      %dma_wait3A_615 = tpu.memref_squeeze %dma_wait3A_614 : memref<1x128x64xf32, #tpu.memory_space<vmem>> -> memref<128x64xf32, #tpu.memory_space<vmem>>
      %dma_wait3A_616 = tpu.memref_slice %arg5[%select_n3A_590, %add3A_610] : memref<50x512xi32, #tpu.memory_space<vmem>> -> memref<1x128xi32, #tpu.memory_space<vmem>>
      %dma_wait3A_617 = tpu.memref_squeeze %dma_wait3A_616 : memref<1x128xi32, #tpu.memory_space<vmem>> -> memref<128xi32, #tpu.memory_space<vmem>>
      %dma_wait3A_618 = arith.constant 0 : i32
      %dma_wait3A_619 = arith.constant 0 : i32
      %dma_wait3A_620 = tpu.memref_slice %arg3[%dma_wait3A_618, %dma_wait3A_619] : memref<1015808x64xf32, #tpu.memory_space<hbm>> -> memref<1015808x64xf32, #tpu.memory_space<hbm>>
      tpu.wait_indirect_dma semaphore(%arg10 : memref<!tpu.dma_semaphore, #tpu.memory_space<semaphore_mem>>) src(%dma_wait3A_620 : memref<1015808x64xf32, #tpu.memory_space<hbm>>) dst(%dma_wait3A_615 : memref<128x64xf32, #tpu.memory_space<vmem>>)
      %mul3A_621 = arith.constant 256 : i32
      %mul3A_622 = arith.muli %select_n3A_606, %mul3A_621 : i32
      %add3A_623 = arith.constant 128 : i32
      %add3A_624 = arith.addi %mul3A_622, %add3A_623 : i32
      %dma_wait3A_625 = arith.constant 0 : i32
      %dma_wait3A_626 = arith.constant 128 : i32
      %dma_wait3A_627 = arith.constant 0 : i32
      %dma_wait3A_628 = tpu.memref_slice %arg7[%dma_wait3A_625, %dma_wait3A_626, %dma_wait3A_627] : memref<1x256x64xf32, #tpu.memory_space<vmem>> -> memref<1x128x64xf32, #tpu.memory_space<vmem>>
      %dma_wait3A_629 = tpu.memref_squeeze %dma_wait3A_628 : memref<1x128x64xf32, #tpu.memory_space<vmem>> -> memref<128x64xf32, #tpu.memory_space<vmem>>
      %dma_wait3A_630 = tpu.memref_slice %arg5[%select_n3A_590, %add3A_624] : memref<50x512xi32, #tpu.memory_space<vmem>> -> memref<1x128xi32, #tpu.memory_space<vmem>>
      %dma_wait3A_631 = tpu.memref_squeeze %dma_wait3A_630 : memref<1x128xi32, #tpu.memory_space<vmem>> -> memref<128xi32, #tpu.memory_space<vmem>>
      %dma_wait3A_632 = arith.constant 0 : i32
      %dma_wait3A_633 = arith.constant 0 : i32
      %dma_wait3A_634 = tpu.memref_slice %arg3[%dma_wait3A_632, %dma_wait3A_633] : memref<1015808x64xf32, #tpu.memory_space<hbm>> -> memref<1015808x64xf32, #tpu.memory_space<hbm>>
      tpu.wait_indirect_dma semaphore(%arg10 : memref<!tpu.dma_semaphore, #tpu.memory_space<semaphore_mem>>) src(%dma_wait3A_634 : memref<1015808x64xf32, #tpu.memory_space<hbm>>) dst(%dma_wait3A_629 : memref<128x64xf32, #tpu.memory_space<vmem>>)
      %jit3A_635 = arith.constant 2 : i32
      %div3A_636 = arith.divsi %add3A_457, %jit3A_635 : i32
      %sign3A_637 = arith.constant 0 : i32
      %sign3A_638 = arith.cmpi sgt, %add3A_457, %sign3A_637 : i32
      %sign3A_639 = arith.extui %sign3A_638 : i1 to i32
      %sign3A_640 = arith.constant 0 : i32
      %sign3A_641 = arith.cmpi slt, %add3A_457, %sign3A_640 : i32
      %sign3A_642 = arith.extui %sign3A_641 : i1 to i32
      %sign3A_643 = arith.subi %sign3A_639, %sign3A_642 : i32
      %sign3A_644 = arith.constant 0 : i32
      %sign3A_645 = arith.cmpi sgt, %jit3A_635, %sign3A_644 : i32
      %sign3A_646 = arith.extui %sign3A_645 : i1 to i32
      %sign3A_647 = arith.constant 0 : i32
      %sign3A_648 = arith.cmpi slt, %jit3A_635, %sign3A_647 : i32
      %sign3A_649 = arith.extui %sign3A_648 : i1 to i32
      %sign3A_650 = arith.subi %sign3A_646, %sign3A_649 : i32
      %ne3A_651 = arith.cmpi ne, %sign3A_643, %sign3A_650 : i32
      %rem3A_652 = arith.remsi %add3A_457, %jit3A_635 : i32
      %ne3A_653 = arith.constant 0 : i32
      %ne3A_654 = arith.cmpi ne, %rem3A_652, %ne3A_653 : i32
      %and3A_655 = arith.andi %ne3A_651, %ne3A_654 : i1
      %sub3A_656 = arith.constant 1 : i32
      %sub3A_657 = arith.subi %div3A_636, %sub3A_656 : i32
      %select_n3A_658 = arith.select %and3A_655, %sub3A_657, %div3A_636 : i32
      %jit3A_659 = arith.constant 2 : i32
      %eq3A_660 = arith.constant 0 : i32
      %eq3A_661 = arith.cmpi eq, %jit3A_659, %eq3A_660 : i32
      %jit3A_662 = arith.constant 1 : i32
      %select_n3A_663 = arith.select %eq3A_661, %jit3A_662, %jit3A_659 : i32
      %rem3A_664 = arith.remsi %add3A_457, %select_n3A_663 : i32
      %ne3A_665 = arith.constant 0 : i32
      %ne3A_666 = arith.cmpi ne, %rem3A_664, %ne3A_665 : i32
      %lt3A_667 = arith.constant 0 : i32
      %lt3A_668 = arith.cmpi slt, %rem3A_664, %lt3A_667 : i32
      %lt3A_669 = arith.constant 0 : i32
      %lt3A_670 = arith.cmpi slt, %select_n3A_663, %lt3A_669 : i32
      %ne3A_671 = arith.xori %lt3A_668, %lt3A_670 : i1
      %and3A_672 = arith.andi %ne3A_671, %ne3A_666 : i1
      %add3A_673 = arith.addi %rem3A_664, %select_n3A_663 : i32
      %select_n3A_674 = arith.select %and3A_672, %add3A_673, %rem3A_664 : i32
      %mul3A_675 = arith.constant 256 : i32
      %mul3A_676 = arith.muli %select_n3A_674, %mul3A_675 : i32
      %add3A_677 = arith.addi %mul3A_2, %mul3A_676 : i32
      %dma_start3A_678 = arith.constant 0 : i32
      %dma_start3A_679 = tpu.memref_slice %arg4[%select_n3A_658, %add3A_677, %dma_start3A_678] : memref<50x16384x64xf32, #tpu.memory_space<hbm>> -> memref<1x256x64xf32, #tpu.memory_space<hbm>>
      %dma_start3A_680 = arith.constant 0 : i32
      %dma_start3A_681 = tpu.memref_slice %arg4[%select_n3A_658, %add3A_677, %dma_start3A_680] : memref<50x16384x64xf32, #tpu.memory_space<hbm>> -> memref<1x256x64xf32, #tpu.memory_space<hbm>>
      tpu.enqueue_dma source(%arg7 : memref<1x256x64xf32, #tpu.memory_space<vmem>>) target(%dma_start3A_681 : memref<1x256x64xf32, #tpu.memory_space<hbm>>) target_semaphore(%arg10 : memref<!tpu.dma_semaphore, #tpu.memory_space<semaphore_mem>>)
      %add3A_682 = arith.constant 1 : i32
      %add3A_683 = arith.addi %add3A_457, %add3A_682 : i32
      %sub3A_684 = arith.constant 2 : i32
      %sub3A_685 = arith.subi %add3A_683, %sub3A_684 : i32
      %jit3A_686 = arith.constant 2 : i32
      %div3A_687 = arith.divsi %sub3A_685, %jit3A_686 : i32
      %sign3A_688 = arith.constant 0 : i32
      %sign3A_689 = arith.cmpi sgt, %sub3A_685, %sign3A_688 : i32
      %sign3A_690 = arith.extui %sign3A_689 : i1 to i32
      %sign3A_691 = arith.constant 0 : i32
      %sign3A_692 = arith.cmpi slt, %sub3A_685, %sign3A_691 : i32
      %sign3A_693 = arith.extui %sign3A_692 : i1 to i32
      %sign3A_694 = arith.subi %sign3A_690, %sign3A_693 : i32
      %sign3A_695 = arith.constant 0 : i32
      %sign3A_696 = arith.cmpi sgt, %jit3A_686, %sign3A_695 : i32
      %sign3A_697 = arith.extui %sign3A_696 : i1 to i32
      %sign3A_698 = arith.constant 0 : i32
      %sign3A_699 = arith.cmpi slt, %jit3A_686, %sign3A_698 : i32
      %sign3A_700 = arith.extui %sign3A_699 : i1 to i32
      %sign3A_701 = arith.subi %sign3A_697, %sign3A_700 : i32
      %ne3A_702 = arith.cmpi ne, %sign3A_694, %sign3A_701 : i32
      %rem3A_703 = arith.remsi %sub3A_685, %jit3A_686 : i32
      %ne3A_704 = arith.constant 0 : i32
      %ne3A_705 = arith.cmpi ne, %rem3A_703, %ne3A_704 : i32
      %and3A_706 = arith.andi %ne3A_702, %ne3A_705 : i1
      %sub3A_707 = arith.constant 1 : i32
      %sub3A_708 = arith.subi %div3A_687, %sub3A_707 : i32
      %select_n3A_709 = arith.select %and3A_706, %sub3A_708, %div3A_687 : i32
      %jit3A_710 = arith.constant 2 : i32
      %eq3A_711 = arith.constant 0 : i32
      %eq3A_712 = arith.cmpi eq, %jit3A_710, %eq3A_711 : i32
      %jit3A_713 = arith.constant 1 : i32
      %select_n3A_714 = arith.select %eq3A_712, %jit3A_713, %jit3A_710 : i32
      %rem3A_715 = arith.remsi %sub3A_685, %select_n3A_714 : i32
      %ne3A_716 = arith.constant 0 : i32
      %ne3A_717 = arith.cmpi ne, %rem3A_715, %ne3A_716 : i32
      %lt3A_718 = arith.constant 0 : i32
      %lt3A_719 = arith.cmpi slt, %rem3A_715, %lt3A_718 : i32
      %lt3A_720 = arith.constant 0 : i32
      %lt3A_721 = arith.cmpi slt, %select_n3A_714, %lt3A_720 : i32
      %ne3A_722 = arith.xori %lt3A_719, %lt3A_721 : i1
      %and3A_723 = arith.andi %ne3A_722, %ne3A_717 : i1
      %add3A_724 = arith.addi %rem3A_715, %select_n3A_714 : i32
      %select_n3A_725 = arith.select %and3A_723, %add3A_724, %rem3A_715 : i32
      %mul3A_726 = arith.constant 256 : i32
      %mul3A_727 = arith.muli %select_n3A_725, %mul3A_726 : i32
      %add3A_728 = arith.addi %mul3A_2, %mul3A_727 : i32
      %dma_wait3A_729 = arith.constant 0 : i32
      %dma_wait3A_730 = tpu.memref_slice %arg4[%select_n3A_709, %add3A_728, %dma_wait3A_729] : memref<50x16384x64xf32, #tpu.memory_space<hbm>> -> memref<1x256x64xf32, #tpu.memory_space<hbm>>
      %dma_wait3A_731 = arith.constant 0 : i32
      %dma_wait3A_732 = tpu.memref_slice %arg4[%select_n3A_709, %add3A_728, %dma_wait3A_731] : memref<50x16384x64xf32, #tpu.memory_space<hbm>> -> memref<1x256x64xf32, #tpu.memory_space<hbm>>
      tpu.wait_dma2 semaphore(%arg9 : memref<!tpu.dma_semaphore, #tpu.memory_space<semaphore_mem>>) src(%arg6 : memref<1x256x64xf32, #tpu.memory_space<vmem>>) dst(%dma_wait3A_732 : memref<1x256x64xf32, #tpu.memory_space<hbm>>)
      %add3A_733 = arith.constant 1 : i32
      %add3A_734 = arith.addi %add3A_683, %add3A_733 : i32
      %jit3A_735 = arith.constant 2 : i32
      %div3A_736 = arith.divsi %add3A_734, %jit3A_735 : i32
      %sign3A_737 = arith.constant 0 : i32
      %sign3A_738 = arith.cmpi sgt, %add3A_734, %sign3A_737 : i32
      %sign3A_739 = arith.extui %sign3A_738 : i1 to i32
      %sign3A_740 = arith.constant 0 : i32
      %sign3A_741 = arith.cmpi slt, %add3A_734, %sign3A_740 : i32
      %sign3A_742 = arith.extui %sign3A_741 : i1 to i32
      %sign3A_743 = arith.subi %sign3A_739, %sign3A_742 : i32
      %sign3A_744 = arith.constant 0 : i32
      %sign3A_745 = arith.cmpi sgt, %jit3A_735, %sign3A_744 : i32
      %sign3A_746 = arith.extui %sign3A_745 : i1 to i32
      %sign3A_747 = arith.constant 0 : i32
      %sign3A_748 = arith.cmpi slt, %jit3A_735, %sign3A_747 : i32
      %sign3A_749 = arith.extui %sign3A_748 : i1 to i32
      %sign3A_750 = arith.subi %sign3A_746, %sign3A_749 : i32
      %ne3A_751 = arith.cmpi ne, %sign3A_743, %sign3A_750 : i32
      %rem3A_752 = arith.remsi %add3A_734, %jit3A_735 : i32
      %ne3A_753 = arith.constant 0 : i32
      %ne3A_754 = arith.cmpi ne, %rem3A_752, %ne3A_753 : i32
      %and3A_755 = arith.andi %ne3A_751, %ne3A_754 : i1
      %sub3A_756 = arith.constant 1 : i32
      %sub3A_757 = arith.subi %div3A_736, %sub3A_756 : i32
      %select_n3A_758 = arith.select %and3A_755, %sub3A_757, %div3A_736 : i32
      %jit3A_759 = arith.constant 2 : i32
      %eq3A_760 = arith.constant 0 : i32
      %eq3A_761 = arith.cmpi eq, %jit3A_759, %eq3A_760 : i32
      %jit3A_762 = arith.constant 1 : i32
      %select_n3A_763 = arith.select %eq3A_761, %jit3A_762, %jit3A_759 : i32
      %rem3A_764 = arith.remsi %add3A_734, %select_n3A_763 : i32
      %ne3A_765 = arith.constant 0 : i32
      %ne3A_766 = arith.cmpi ne, %rem3A_764, %ne3A_765 : i32
      %lt3A_767 = arith.constant 0 : i32
      %lt3A_768 = arith.cmpi slt, %rem3A_764, %lt3A_767 : i32
      %lt3A_769 = arith.constant 0 : i32
      %lt3A_770 = arith.cmpi slt, %select_n3A_763, %lt3A_769 : i32
      %ne3A_771 = arith.xori %lt3A_768, %lt3A_770 : i1
      %and3A_772 = arith.andi %ne3A_771, %ne3A_766 : i1
      %add3A_773 = arith.addi %rem3A_764, %select_n3A_763 : i32
      %select_n3A_774 = arith.select %and3A_772, %add3A_773, %rem3A_764 : i32
      %mul3A_775 = arith.constant 256 : i32
      %mul3A_776 = arith.muli %select_n3A_774, %mul3A_775 : i32
      %add3A_777 = arith.constant 0 : i32
      %add3A_778 = arith.addi %mul3A_776, %add3A_777 : i32
      %dma_start3A_779 = arith.constant 0 : i32
      %dma_start3A_780 = arith.constant 0 : i32
      %dma_start3A_781 = arith.constant 0 : i32
      %dma_start3A_782 = tpu.memref_slice %arg6[%dma_start3A_779, %dma_start3A_780, %dma_start3A_781] : memref<1x256x64xf32, #tpu.memory_space<vmem>> -> memref<1x128x64xf32, #tpu.memory_space<vmem>>
      %dma_start3A_783 = tpu.memref_squeeze %dma_start3A_782 : memref<1x128x64xf32, #tpu.memory_space<vmem>> -> memref<128x64xf32, #tpu.memory_space<vmem>>
      %dma_start3A_784 = tpu.memref_slice %arg5[%select_n3A_758, %add3A_778] : memref<50x512xi32, #tpu.memory_space<vmem>> -> memref<1x128xi32, #tpu.memory_space<vmem>>
      %dma_start3A_785 = tpu.memref_squeeze %dma_start3A_784 : memref<1x128xi32, #tpu.memory_space<vmem>> -> memref<128xi32, #tpu.memory_space<vmem>>
      %dma_start3A_786 = arith.constant 0 : i32
      %dma_start3A_787 = arith.constant 0 : i32
      %dma_start3A_788 = tpu.memref_slice %arg3[%dma_start3A_786, %dma_start3A_787] : memref<1015808x64xf32, #tpu.memory_space<hbm>> -> memref<1015808x64xf32, #tpu.memory_space<hbm>>
      tpu.enqueue_indirect_dma source(%dma_start3A_788 : memref<1015808x64xf32, #tpu.memory_space<hbm>>) target(%dma_start3A_783 : memref<128x64xf32, #tpu.memory_space<vmem>>) offsets(%dma_start3A_785 : memref<128xi32, #tpu.memory_space<vmem>>) semaphore(%arg9 : memref<!tpu.dma_semaphore, #tpu.memory_space<semaphore_mem>>)
      %mul3A_789 = arith.constant 256 : i32
      %mul3A_790 = arith.muli %select_n3A_774, %mul3A_789 : i32
      %add3A_791 = arith.constant 128 : i32
      %add3A_792 = arith.addi %mul3A_790, %add3A_791 : i32
      %dma_start3A_793 = arith.constant 0 : i32
      %dma_start3A_794 = arith.constant 128 : i32
      %dma_start3A_795 = arith.constant 0 : i32
      %dma_start3A_796 = tpu.memref_slice %arg6[%dma_start3A_793, %dma_start3A_794, %dma_start3A_795] : memref<1x256x64xf32, #tpu.memory_space<vmem>> -> memref<1x128x64xf32, #tpu.memory_space<vmem>>
      %dma_start3A_797 = tpu.memref_squeeze %dma_start3A_796 : memref<1x128x64xf32, #tpu.memory_space<vmem>> -> memref<128x64xf32, #tpu.memory_space<vmem>>
      %dma_start3A_798 = tpu.memref_slice %arg5[%select_n3A_758, %add3A_792] : memref<50x512xi32, #tpu.memory_space<vmem>> -> memref<1x128xi32, #tpu.memory_space<vmem>>
      %dma_start3A_799 = tpu.memref_squeeze %dma_start3A_798 : memref<1x128xi32, #tpu.memory_space<vmem>> -> memref<128xi32, #tpu.memory_space<vmem>>
      %dma_start3A_800 = arith.constant 0 : i32
      %dma_start3A_801 = arith.constant 0 : i32
      %dma_start3A_802 = tpu.memref_slice %arg3[%dma_start3A_800, %dma_start3A_801] : memref<1015808x64xf32, #tpu.memory_space<hbm>> -> memref<1015808x64xf32, #tpu.memory_space<hbm>>
      tpu.enqueue_indirect_dma source(%dma_start3A_802 : memref<1015808x64xf32, #tpu.memory_space<hbm>>) target(%dma_start3A_797 : memref<128x64xf32, #tpu.memory_space<vmem>>) offsets(%dma_start3A_799 : memref<128xi32, #tpu.memory_space<vmem>>) semaphore(%arg9 : memref<!tpu.dma_semaphore, #tpu.memory_space<semaphore_mem>>)
      %jit3A_803 = arith.constant 2 : i32
      %div3A_804 = arith.divsi %add3A_683, %jit3A_803 : i32
      %sign3A_805 = arith.constant 0 : i32
      %sign3A_806 = arith.cmpi sgt, %add3A_683, %sign3A_805 : i32
      %sign3A_807 = arith.extui %sign3A_806 : i1 to i32
      %sign3A_808 = arith.constant 0 : i32
      %sign3A_809 = arith.cmpi slt, %add3A_683, %sign3A_808 : i32
      %sign3A_810 = arith.extui %sign3A_809 : i1 to i32
      %sign3A_811 = arith.subi %sign3A_807, %sign3A_810 : i32
      %sign3A_812 = arith.constant 0 : i32
      %sign3A_813 = arith.cmpi sgt, %jit3A_803, %sign3A_812 : i32
      %sign3A_814 = arith.extui %sign3A_813 : i1 to i32
      %sign3A_815 = arith.constant 0 : i32
      %sign3A_816 = arith.cmpi slt, %jit3A_803, %sign3A_815 : i32
      %sign3A_817 = arith.extui %sign3A_816 : i1 to i32
      %sign3A_818 = arith.subi %sign3A_814, %sign3A_817 : i32
      %ne3A_819 = arith.cmpi ne, %sign3A_811, %sign3A_818 : i32
      %rem3A_820 = arith.remsi %add3A_683, %jit3A_803 : i32
      %ne3A_821 = arith.constant 0 : i32
      %ne3A_822 = arith.cmpi ne, %rem3A_820, %ne3A_821 : i32
      %and3A_823 = arith.andi %ne3A_819, %ne3A_822 : i1
      %sub3A_824 = arith.constant 1 : i32
      %sub3A_825 = arith.subi %div3A_804, %sub3A_824 : i32
      %select_n3A_826 = arith.select %and3A_823, %sub3A_825, %div3A_804 : i32
      %jit3A_827 = arith.constant 2 : i32
      %eq3A_828 = arith.constant 0 : i32
      %eq3A_829 = arith.cmpi eq, %jit3A_827, %eq3A_828 : i32
      %jit3A_830 = arith.constant 1 : i32
      %select_n3A_831 = arith.select %eq3A_829, %jit3A_830, %jit3A_827 : i32
      %rem3A_832 = arith.remsi %add3A_683, %select_n3A_831 : i32
      %ne3A_833 = arith.constant 0 : i32
      %ne3A_834 = arith.cmpi ne, %rem3A_832, %ne3A_833 : i32
      %lt3A_835 = arith.constant 0 : i32
      %lt3A_836 = arith.cmpi slt, %rem3A_832, %lt3A_835 : i32
      %lt3A_837 = arith.constant 0 : i32
      %lt3A_838 = arith.cmpi slt, %select_n3A_831, %lt3A_837 : i32
      %ne3A_839 = arith.xori %lt3A_836, %lt3A_838 : i1
      %and3A_840 = arith.andi %ne3A_839, %ne3A_834 : i1
      %add3A_841 = arith.addi %rem3A_832, %select_n3A_831 : i32
      %select_n3A_842 = arith.select %and3A_840, %add3A_841, %rem3A_832 : i32
      %mul3A_843 = arith.constant 256 : i32
      %mul3A_844 = arith.muli %select_n3A_842, %mul3A_843 : i32
      %add3A_845 = arith.constant 0 : i32
      %add3A_846 = arith.addi %mul3A_844, %add3A_845 : i32
      %dma_wait3A_847 = arith.constant 0 : i32
      %dma_wait3A_848 = arith.constant 0 : i32
      %dma_wait3A_849 = arith.constant 0 : i32
      %dma_wait3A_850 = tpu.memref_slice %arg8[%dma_wait3A_847, %dma_wait3A_848, %dma_wait3A_849] : memref<1x256x64xf32, #tpu.memory_space<vmem>> -> memref<1x128x64xf32, #tpu.memory_space<vmem>>
      %dma_wait3A_851 = tpu.memref_squeeze %dma_wait3A_850 : memref<1x128x64xf32, #tpu.memory_space<vmem>> -> memref<128x64xf32, #tpu.memory_space<vmem>>
      %dma_wait3A_852 = tpu.memref_slice %arg5[%select_n3A_826, %add3A_846] : memref<50x512xi32, #tpu.memory_space<vmem>> -> memref<1x128xi32, #tpu.memory_space<vmem>>
      %dma_wait3A_853 = tpu.memref_squeeze %dma_wait3A_852 : memref<1x128xi32, #tpu.memory_space<vmem>> -> memref<128xi32, #tpu.memory_space<vmem>>
      %dma_wait3A_854 = arith.constant 0 : i32
      %dma_wait3A_855 = arith.constant 0 : i32
      %dma_wait3A_856 = tpu.memref_slice %arg3[%dma_wait3A_854, %dma_wait3A_855] : memref<1015808x64xf32, #tpu.memory_space<hbm>> -> memref<1015808x64xf32, #tpu.memory_space<hbm>>
      tpu.wait_indirect_dma semaphore(%arg11 : memref<!tpu.dma_semaphore, #tpu.memory_space<semaphore_mem>>) src(%dma_wait3A_856 : memref<1015808x64xf32, #tpu.memory_space<hbm>>) dst(%dma_wait3A_851 : memref<128x64xf32, #tpu.memory_space<vmem>>)
      %mul3A_857 = arith.constant 256 : i32
      %mul3A_858 = arith.muli %select_n3A_842, %mul3A_857 : i32
      %add3A_859 = arith.constant 128 : i32
      %add3A_860 = arith.addi %mul3A_858, %add3A_859 : i32
      %dma_wait3A_861 = arith.constant 0 : i32
      %dma_wait3A_862 = arith.constant 128 : i32
      %dma_wait3A_863 = arith.constant 0 : i32
      %dma_wait3A_864 = tpu.memref_slice %arg8[%dma_wait3A_861, %dma_wait3A_862, %dma_wait3A_863] : memref<1x256x64xf32, #tpu.memory_space<vmem>> -> memref<1x128x64xf32, #tpu.memory_space<vmem>>
      %dma_wait3A_865 = tpu.memref_squeeze %dma_wait3A_864 : memref<1x128x64xf32, #tpu.memory_space<vmem>> -> memref<128x64xf32, #tpu.memory_space<vmem>>
      %dma_wait3A_866 = tpu.memref_slice %arg5[%select_n3A_826, %add3A_860] : memref<50x512xi32, #tpu.memory_space<vmem>> -> memref<1x128xi32, #tpu.memory_space<vmem>>
      %dma_wait3A_867 = tpu.memref_squeeze %dma_wait3A_866 : memref<1x128xi32, #tpu.memory_space<vmem>> -> memref<128xi32, #tpu.memory_space<vmem>>
      %dma_wait3A_868 = arith.constant 0 : i32
      %dma_wait3A_869 = arith.constant 0 : i32
      %dma_wait3A_870 = tpu.memref_slice %arg3[%dma_wait3A_868, %dma_wait3A_869] : memref<1015808x64xf32, #tpu.memory_space<hbm>> -> memref<1015808x64xf32, #tpu.memory_space<hbm>>
      tpu.wait_indirect_dma semaphore(%arg11 : memref<!tpu.dma_semaphore, #tpu.memory_space<semaphore_mem>>) src(%dma_wait3A_870 : memref<1015808x64xf32, #tpu.memory_space<hbm>>) dst(%dma_wait3A_865 : memref<128x64xf32, #tpu.memory_space<vmem>>)
      %jit3A_871 = arith.constant 2 : i32
      %div3A_872 = arith.divsi %add3A_683, %jit3A_871 : i32
      %sign3A_873 = arith.constant 0 : i32
      %sign3A_874 = arith.cmpi sgt, %add3A_683, %sign3A_873 : i32
      %sign3A_875 = arith.extui %sign3A_874 : i1 to i32
      %sign3A_876 = arith.constant 0 : i32
      %sign3A_877 = arith.cmpi slt, %add3A_683, %sign3A_876 : i32
      %sign3A_878 = arith.extui %sign3A_877 : i1 to i32
      %sign3A_879 = arith.subi %sign3A_875, %sign3A_878 : i32
      %sign3A_880 = arith.constant 0 : i32
      %sign3A_881 = arith.cmpi sgt, %jit3A_871, %sign3A_880 : i32
      %sign3A_882 = arith.extui %sign3A_881 : i1 to i32
      %sign3A_883 = arith.constant 0 : i32
      %sign3A_884 = arith.cmpi slt, %jit3A_871, %sign3A_883 : i32
      %sign3A_885 = arith.extui %sign3A_884 : i1 to i32
      %sign3A_886 = arith.subi %sign3A_882, %sign3A_885 : i32
      %ne3A_887 = arith.cmpi ne, %sign3A_879, %sign3A_886 : i32
      %rem3A_888 = arith.remsi %add3A_683, %jit3A_871 : i32
      %ne3A_889 = arith.constant 0 : i32
      %ne3A_890 = arith.cmpi ne, %rem3A_888, %ne3A_889 : i32
      %and3A_891 = arith.andi %ne3A_887, %ne3A_890 : i1
      %sub3A_892 = arith.constant 1 : i32
      %sub3A_893 = arith.subi %div3A_872, %sub3A_892 : i32
      %select_n3A_894 = arith.select %and3A_891, %sub3A_893, %div3A_872 : i32
      %jit3A_895 = arith.constant 2 : i32
      %eq3A_896 = arith.constant 0 : i32
      %eq3A_897 = arith.cmpi eq, %jit3A_895, %eq3A_896 : i32
      %jit3A_898 = arith.constant 1 : i32
      %select_n3A_899 = arith.select %eq3A_897, %jit3A_898, %jit3A_895 : i32
      %rem3A_900 = arith.remsi %add3A_683, %select_n3A_899 : i32
      %ne3A_901 = arith.constant 0 : i32
      %ne3A_902 = arith.cmpi ne, %rem3A_900, %ne3A_901 : i32
      %lt3A_903 = arith.constant 0 : i32
      %lt3A_904 = arith.cmpi slt, %rem3A_900, %lt3A_903 : i32
      %lt3A_905 = arith.constant 0 : i32
      %lt3A_906 = arith.cmpi slt, %select_n3A_899, %lt3A_905 : i32
      %ne3A_907 = arith.xori %lt3A_904, %lt3A_906 : i1
      %and3A_908 = arith.andi %ne3A_907, %ne3A_902 : i1
      %add3A_909 = arith.addi %rem3A_900, %select_n3A_899 : i32
      %select_n3A_910 = arith.select %and3A_908, %add3A_909, %rem3A_900 : i32
      %mul3A_911 = arith.constant 256 : i32
      %mul3A_912 = arith.muli %select_n3A_910, %mul3A_911 : i32
      %add3A_913 = arith.addi %mul3A_2, %mul3A_912 : i32
      %dma_start3A_914 = arith.constant 0 : i32
      %dma_start3A_915 = tpu.memref_slice %arg4[%select_n3A_894, %add3A_913, %dma_start3A_914] : memref<50x16384x64xf32, #tpu.memory_space<hbm>> -> memref<1x256x64xf32, #tpu.memory_space<hbm>>
      %dma_start3A_916 = arith.constant 0 : i32
      %dma_start3A_917 = tpu.memref_slice %arg4[%select_n3A_894, %add3A_913, %dma_start3A_916] : memref<50x16384x64xf32, #tpu.memory_space<hbm>> -> memref<1x256x64xf32, #tpu.memory_space<hbm>>
      tpu.enqueue_dma source(%arg8 : memref<1x256x64xf32, #tpu.memory_space<vmem>>) target(%dma_start3A_917 : memref<1x256x64xf32, #tpu.memory_space<hbm>>) target_semaphore(%arg11 : memref<!tpu.dma_semaphore, #tpu.memory_space<semaphore_mem>>)
      %add3A_918 = arith.constant 2 : i32
      %add3A_919 = arith.addi %add3A_457, %add3A_918 : i32
      %sub3A_920 = arith.constant 2 : i32
      %sub3A_921 = arith.subi %add3A_919, %sub3A_920 : i32
      %jit3A_922 = arith.constant 2 : i32
      %div3A_923 = arith.divsi %sub3A_921, %jit3A_922 : i32
      %sign3A_924 = arith.constant 0 : i32
      %sign3A_925 = arith.cmpi sgt, %sub3A_921, %sign3A_924 : i32
      %sign3A_926 = arith.extui %sign3A_925 : i1 to i32
      %sign3A_927 = arith.constant 0 : i32
      %sign3A_928 = arith.cmpi slt, %sub3A_921, %sign3A_927 : i32
      %sign3A_929 = arith.extui %sign3A_928 : i1 to i32
      %sign3A_930 = arith.subi %sign3A_926, %sign3A_929 : i32
      %sign3A_931 = arith.constant 0 : i32
      %sign3A_932 = arith.cmpi sgt, %jit3A_922, %sign3A_931 : i32
      %sign3A_933 = arith.extui %sign3A_932 : i1 to i32
      %sign3A_934 = arith.constant 0 : i32
      %sign3A_935 = arith.cmpi slt, %jit3A_922, %sign3A_934 : i32
      %sign3A_936 = arith.extui %sign3A_935 : i1 to i32
      %sign3A_937 = arith.subi %sign3A_933, %sign3A_936 : i32
      %ne3A_938 = arith.cmpi ne, %sign3A_930, %sign3A_937 : i32
      %rem3A_939 = arith.remsi %sub3A_921, %jit3A_922 : i32
      %ne3A_940 = arith.constant 0 : i32
      %ne3A_941 = arith.cmpi ne, %rem3A_939, %ne3A_940 : i32
      %and3A_942 = arith.andi %ne3A_938, %ne3A_941 : i1
      %sub3A_943 = arith.constant 1 : i32
      %sub3A_944 = arith.subi %div3A_923, %sub3A_943 : i32
      %select_n3A_945 = arith.select %and3A_942, %sub3A_944, %div3A_923 : i32
      %jit3A_946 = arith.constant 2 : i32
      %eq3A_947 = arith.constant 0 : i32
      %eq3A_948 = arith.cmpi eq, %jit3A_946, %eq3A_947 : i32
      %jit3A_949 = arith.constant 1 : i32
      %select_n3A_950 = arith.select %eq3A_948, %jit3A_949, %jit3A_946 : i32
      %rem3A_951 = arith.remsi %sub3A_921, %select_n3A_950 : i32
      %ne3A_952 = arith.constant 0 : i32
      %ne3A_953 = arith.cmpi ne, %rem3A_951, %ne3A_952 : i32
      %lt3A_954 = arith.constant 0 : i32
      %lt3A_955 = arith.cmpi slt, %rem3A_951, %lt3A_954 : i32
      %lt3A_956 = arith.constant 0 : i32
      %lt3A_957 = arith.cmpi slt, %select_n3A_950, %lt3A_956 : i32
      %ne3A_958 = arith.xori %lt3A_955, %lt3A_957 : i1
      %and3A_959 = arith.andi %ne3A_958, %ne3A_953 : i1
      %add3A_960 = arith.addi %rem3A_951, %select_n3A_950 : i32
      %select_n3A_961 = arith.select %and3A_959, %add3A_960, %rem3A_951 : i32
      %mul3A_962 = arith.constant 256 : i32
      %mul3A_963 = arith.muli %select_n3A_961, %mul3A_962 : i32
      %add3A_964 = arith.addi %mul3A_2, %mul3A_963 : i32
      %dma_wait3A_965 = arith.constant 0 : i32
      %dma_wait3A_966 = tpu.memref_slice %arg4[%select_n3A_945, %add3A_964, %dma_wait3A_965] : memref<50x16384x64xf32, #tpu.memory_space<hbm>> -> memref<1x256x64xf32, #tpu.memory_space<hbm>>
      %dma_wait3A_967 = arith.constant 0 : i32
      %dma_wait3A_968 = tpu.memref_slice %arg4[%select_n3A_945, %add3A_964, %dma_wait3A_967] : memref<50x16384x64xf32, #tpu.memory_space<hbm>> -> memref<1x256x64xf32, #tpu.memory_space<hbm>>
      tpu.wait_dma2 semaphore(%arg10 : memref<!tpu.dma_semaphore, #tpu.memory_space<semaphore_mem>>) src(%arg7 : memref<1x256x64xf32, #tpu.memory_space<vmem>>) dst(%dma_wait3A_968 : memref<1x256x64xf32, #tpu.memory_space<hbm>>)
      %add3A_969 = arith.constant 1 : i32
      %add3A_970 = arith.addi %add3A_919, %add3A_969 : i32
      %jit3A_971 = arith.constant 2 : i32
      %div3A_972 = arith.divsi %add3A_970, %jit3A_971 : i32
      %sign3A_973 = arith.constant 0 : i32
      %sign3A_974 = arith.cmpi sgt, %add3A_970, %sign3A_973 : i32
      %sign3A_975 = arith.extui %sign3A_974 : i1 to i32
      %sign3A_976 = arith.constant 0 : i32
      %sign3A_977 = arith.cmpi slt, %add3A_970, %sign3A_976 : i32
      %sign3A_978 = arith.extui %sign3A_977 : i1 to i32
      %sign3A_979 = arith.subi %sign3A_975, %sign3A_978 : i32
      %sign3A_980 = arith.constant 0 : i32
      %sign3A_981 = arith.cmpi sgt, %jit3A_971, %sign3A_980 : i32
      %sign3A_982 = arith.extui %sign3A_981 : i1 to i32
      %sign3A_983 = arith.constant 0 : i32
      %sign3A_984 = arith.cmpi slt, %jit3A_971, %sign3A_983 : i32
      %sign3A_985 = arith.extui %sign3A_984 : i1 to i32
      %sign3A_986 = arith.subi %sign3A_982, %sign3A_985 : i32
      %ne3A_987 = arith.cmpi ne, %sign3A_979, %sign3A_986 : i32
      %rem3A_988 = arith.remsi %add3A_970, %jit3A_971 : i32
      %ne3A_989 = arith.constant 0 : i32
      %ne3A_990 = arith.cmpi ne, %rem3A_988, %ne3A_989 : i32
      %and3A_991 = arith.andi %ne3A_987, %ne3A_990 : i1
      %sub3A_992 = arith.constant 1 : i32
      %sub3A_993 = arith.subi %div3A_972, %sub3A_992 : i32
      %select_n3A_994 = arith.select %and3A_991, %sub3A_993, %div3A_972 : i32
      %jit3A_995 = arith.constant 2 : i32
      %eq3A_996 = arith.constant 0 : i32
      %eq3A_997 = arith.cmpi eq, %jit3A_995, %eq3A_996 : i32
      %jit3A_998 = arith.constant 1 : i32
      %select_n3A_999 = arith.select %eq3A_997, %jit3A_998, %jit3A_995 : i32
      %rem3A_1000 = arith.remsi %add3A_970, %select_n3A_999 : i32
      %ne3A_1001 = arith.constant 0 : i32
      %ne3A_1002 = arith.cmpi ne, %rem3A_1000, %ne3A_1001 : i32
      %lt3A_1003 = arith.constant 0 : i32
      %lt3A_1004 = arith.cmpi slt, %rem3A_1000, %lt3A_1003 : i32
      %lt3A_1005 = arith.constant 0 : i32
      %lt3A_1006 = arith.cmpi slt, %select_n3A_999, %lt3A_1005 : i32
      %ne3A_1007 = arith.xori %lt3A_1004, %lt3A_1006 : i1
      %and3A_1008 = arith.andi %ne3A_1007, %ne3A_1002 : i1
      %add3A_1009 = arith.addi %rem3A_1000, %select_n3A_999 : i32
      %select_n3A_1010 = arith.select %and3A_1008, %add3A_1009, %rem3A_1000 : i32
      %mul3A_1011 = arith.constant 256 : i32
      %mul3A_1012 = arith.muli %select_n3A_1010, %mul3A_1011 : i32
      %add3A_1013 = arith.constant 0 : i32
      %add3A_1014 = arith.addi %mul3A_1012, %add3A_1013 : i32
      %dma_start3A_1015 = arith.constant 0 : i32
      %dma_start3A_1016 = arith.constant 0 : i32
      %dma_start3A_1017 = arith.constant 0 : i32
      %dma_start3A_1018 = tpu.memref_slice %arg7[%dma_start3A_1015, %dma_start3A_1016, %dma_start3A_1017] : memref<1x256x64xf32, #tpu.memory_space<vmem>> -> memref<1x128x64xf32, #tpu.memory_space<vmem>>
      %dma_start3A_1019 = tpu.memref_squeeze %dma_start3A_1018 : memref<1x128x64xf32, #tpu.memory_space<vmem>> -> memref<128x64xf32, #tpu.memory_space<vmem>>
      %dma_start3A_1020 = tpu.memref_slice %arg5[%select_n3A_994, %add3A_1014] : memref<50x512xi32, #tpu.memory_space<vmem>> -> memref<1x128xi32, #tpu.memory_space<vmem>>
      %dma_start3A_1021 = tpu.memref_squeeze %dma_start3A_1020 : memref<1x128xi32, #tpu.memory_space<vmem>> -> memref<128xi32, #tpu.memory_space<vmem>>
      %dma_start3A_1022 = arith.constant 0 : i32
      %dma_start3A_1023 = arith.constant 0 : i32
      %dma_start3A_1024 = tpu.memref_slice %arg3[%dma_start3A_1022, %dma_start3A_1023] : memref<1015808x64xf32, #tpu.memory_space<hbm>> -> memref<1015808x64xf32, #tpu.memory_space<hbm>>
      tpu.enqueue_indirect_dma source(%dma_start3A_1024 : memref<1015808x64xf32, #tpu.memory_space<hbm>>) target(%dma_start3A_1019 : memref<128x64xf32, #tpu.memory_space<vmem>>) offsets(%dma_start3A_1021 : memref<128xi32, #tpu.memory_space<vmem>>) semaphore(%arg10 : memref<!tpu.dma_semaphore, #tpu.memory_space<semaphore_mem>>)
      %mul3A_1025 = arith.constant 256 : i32
      %mul3A_1026 = arith.muli %select_n3A_1010, %mul3A_1025 : i32
      %add3A_1027 = arith.constant 128 : i32
      %add3A_1028 = arith.addi %mul3A_1026, %add3A_1027 : i32
      %dma_start3A_1029 = arith.constant 0 : i32
      %dma_start3A_1030 = arith.constant 128 : i32
      %dma_start3A_1031 = arith.constant 0 : i32
      %dma_start3A_1032 = tpu.memref_slice %arg7[%dma_start3A_1029, %dma_start3A_1030, %dma_start3A_1031] : memref<1x256x64xf32, #tpu.memory_space<vmem>> -> memref<1x128x64xf32, #tpu.memory_space<vmem>>
      %dma_start3A_1033 = tpu.memref_squeeze %dma_start3A_1032 : memref<1x128x64xf32, #tpu.memory_space<vmem>> -> memref<128x64xf32, #tpu.memory_space<vmem>>
      %dma_start3A_1034 = tpu.memref_slice %arg5[%select_n3A_994, %add3A_1028] : memref<50x512xi32, #tpu.memory_space<vmem>> -> memref<1x128xi32, #tpu.memory_space<vmem>>
      %dma_start3A_1035 = tpu.memref_squeeze %dma_start3A_1034 : memref<1x128xi32, #tpu.memory_space<vmem>> -> memref<128xi32, #tpu.memory_space<vmem>>
      %dma_start3A_1036 = arith.constant 0 : i32
      %dma_start3A_1037 = arith.constant 0 : i32
      %dma_start3A_1038 = tpu.memref_slice %arg3[%dma_start3A_1036, %dma_start3A_1037] : memref<1015808x64xf32, #tpu.memory_space<hbm>> -> memref<1015808x64xf32, #tpu.memory_space<hbm>>
      tpu.enqueue_indirect_dma source(%dma_start3A_1038 : memref<1015808x64xf32, #tpu.memory_space<hbm>>) target(%dma_start3A_1033 : memref<128x64xf32, #tpu.memory_space<vmem>>) offsets(%dma_start3A_1035 : memref<128xi32, #tpu.memory_space<vmem>>) semaphore(%arg10 : memref<!tpu.dma_semaphore, #tpu.memory_space<semaphore_mem>>)
      %jit3A_1039 = arith.constant 2 : i32
      %div3A_1040 = arith.divsi %add3A_919, %jit3A_1039 : i32
      %sign3A_1041 = arith.constant 0 : i32
      %sign3A_1042 = arith.cmpi sgt, %add3A_919, %sign3A_1041 : i32
      %sign3A_1043 = arith.extui %sign3A_1042 : i1 to i32
      %sign3A_1044 = arith.constant 0 : i32
      %sign3A_1045 = arith.cmpi slt, %add3A_919, %sign3A_1044 : i32
      %sign3A_1046 = arith.extui %sign3A_1045 : i1 to i32
      %sign3A_1047 = arith.subi %sign3A_1043, %sign3A_1046 : i32
      %sign3A_1048 = arith.constant 0 : i32
      %sign3A_1049 = arith.cmpi sgt, %jit3A_1039, %sign3A_1048 : i32
      %sign3A_1050 = arith.extui %sign3A_1049 : i1 to i32
      %sign3A_1051 = arith.constant 0 : i32
      %sign3A_1052 = arith.cmpi slt, %jit3A_1039, %sign3A_1051 : i32
      %sign3A_1053 = arith.extui %sign3A_1052 : i1 to i32
      %sign3A_1054 = arith.subi %sign3A_1050, %sign3A_1053 : i32
      %ne3A_1055 = arith.cmpi ne, %sign3A_1047, %sign3A_1054 : i32
      %rem3A_1056 = arith.remsi %add3A_919, %jit3A_1039 : i32
      %ne3A_1057 = arith.constant 0 : i32
      %ne3A_1058 = arith.cmpi ne, %rem3A_1056, %ne3A_1057 : i32
      %and3A_1059 = arith.andi %ne3A_1055, %ne3A_1058 : i1
      %sub3A_1060 = arith.constant 1 : i32
      %sub3A_1061 = arith.subi %div3A_1040, %sub3A_1060 : i32
      %select_n3A_1062 = arith.select %and3A_1059, %sub3A_1061, %div3A_1040 : i32
      %jit3A_1063 = arith.constant 2 : i32
      %eq3A_1064 = arith.constant 0 : i32
      %eq3A_1065 = arith.cmpi eq, %jit3A_1063, %eq3A_1064 : i32
      %jit3A_1066 = arith.constant 1 : i32
      %select_n3A_1067 = arith.select %eq3A_1065, %jit3A_1066, %jit3A_1063 : i32
      %rem3A_1068 = arith.remsi %add3A_919, %select_n3A_1067 : i32
      %ne3A_1069 = arith.constant 0 : i32
      %ne3A_1070 = arith.cmpi ne, %rem3A_1068, %ne3A_1069 : i32
      %lt3A_1071 = arith.constant 0 : i32
      %lt3A_1072 = arith.cmpi slt, %rem3A_1068, %lt3A_1071 : i32
      %lt3A_1073 = arith.constant 0 : i32
      %lt3A_1074 = arith.cmpi slt, %select_n3A_1067, %lt3A_1073 : i32
      %ne3A_1075 = arith.xori %lt3A_1072, %lt3A_1074 : i1
      %and3A_1076 = arith.andi %ne3A_1075, %ne3A_1070 : i1
      %add3A_1077 = arith.addi %rem3A_1068, %select_n3A_1067 : i32
      %select_n3A_1078 = arith.select %and3A_1076, %add3A_1077, %rem3A_1068 : i32
      %mul3A_1079 = arith.constant 256 : i32
      %mul3A_1080 = arith.muli %select_n3A_1078, %mul3A_1079 : i32
      %add3A_1081 = arith.constant 0 : i32
      %add3A_1082 = arith.addi %mul3A_1080, %add3A_1081 : i32
      %dma_wait3A_1083 = arith.constant 0 : i32
      %dma_wait3A_1084 = arith.constant 0 : i32
      %dma_wait3A_1085 = arith.constant 0 : i32
      %dma_wait3A_1086 = tpu.memref_slice %arg6[%dma_wait3A_1083, %dma_wait3A_1084, %dma_wait3A_1085] : memref<1x256x64xf32, #tpu.memory_space<vmem>> -> memref<1x128x64xf32, #tpu.memory_space<vmem>>
      %dma_wait3A_1087 = tpu.memref_squeeze %dma_wait3A_1086 : memref<1x128x64xf32, #tpu.memory_space<vmem>> -> memref<128x64xf32, #tpu.memory_space<vmem>>
      %dma_wait3A_1088 = tpu.memref_slice %arg5[%select_n3A_1062, %add3A_1082] : memref<50x512xi32, #tpu.memory_space<vmem>> -> memref<1x128xi32, #tpu.memory_space<vmem>>
      %dma_wait3A_1089 = tpu.memref_squeeze %dma_wait3A_1088 : memref<1x128xi32, #tpu.memory_space<vmem>> -> memref<128xi32, #tpu.memory_space<vmem>>
      %dma_wait3A_1090 = arith.constant 0 : i32
      %dma_wait3A_1091 = arith.constant 0 : i32
      %dma_wait3A_1092 = tpu.memref_slice %arg3[%dma_wait3A_1090, %dma_wait3A_1091] : memref<1015808x64xf32, #tpu.memory_space<hbm>> -> memref<1015808x64xf32, #tpu.memory_space<hbm>>
      tpu.wait_indirect_dma semaphore(%arg9 : memref<!tpu.dma_semaphore, #tpu.memory_space<semaphore_mem>>) src(%dma_wait3A_1092 : memref<1015808x64xf32, #tpu.memory_space<hbm>>) dst(%dma_wait3A_1087 : memref<128x64xf32, #tpu.memory_space<vmem>>)
      %mul3A_1093 = arith.constant 256 : i32
      %mul3A_1094 = arith.muli %select_n3A_1078, %mul3A_1093 : i32
      %add3A_1095 = arith.constant 128 : i32
      %add3A_1096 = arith.addi %mul3A_1094, %add3A_1095 : i32
      %dma_wait3A_1097 = arith.constant 0 : i32
      %dma_wait3A_1098 = arith.constant 128 : i32
      %dma_wait3A_1099 = arith.constant 0 : i32
      %dma_wait3A_1100 = tpu.memref_slice %arg6[%dma_wait3A_1097, %dma_wait3A_1098, %dma_wait3A_1099] : memref<1x256x64xf32, #tpu.memory_space<vmem>> -> memref<1x128x64xf32, #tpu.memory_space<vmem>>
      %dma_wait3A_1101 = tpu.memref_squeeze %dma_wait3A_1100 : memref<1x128x64xf32, #tpu.memory_space<vmem>> -> memref<128x64xf32, #tpu.memory_space<vmem>>
      %dma_wait3A_1102 = tpu.memref_slice %arg5[%select_n3A_1062, %add3A_1096] : memref<50x512xi32, #tpu.memory_space<vmem>> -> memref<1x128xi32, #tpu.memory_space<vmem>>
      %dma_wait3A_1103 = tpu.memref_squeeze %dma_wait3A_1102 : memref<1x128xi32, #tpu.memory_space<vmem>> -> memref<128xi32, #tpu.memory_space<vmem>>
      %dma_wait3A_1104 = arith.constant 0 : i32
      %dma_wait3A_1105 = arith.constant 0 : i32
      %dma_wait3A_1106 = tpu.memref_slice %arg3[%dma_wait3A_1104, %dma_wait3A_1105] : memref<1015808x64xf32, #tpu.memory_space<hbm>> -> memref<1015808x64xf32, #tpu.memory_space<hbm>>
      tpu.wait_indirect_dma semaphore(%arg9 : memref<!tpu.dma_semaphore, #tpu.memory_space<semaphore_mem>>) src(%dma_wait3A_1106 : memref<1015808x64xf32, #tpu.memory_space<hbm>>) dst(%dma_wait3A_1101 : memref<128x64xf32, #tpu.memory_space<vmem>>)
      %jit3A_1107 = arith.constant 2 : i32
      %div3A_1108 = arith.divsi %add3A_919, %jit3A_1107 : i32
      %sign3A_1109 = arith.constant 0 : i32
      %sign3A_1110 = arith.cmpi sgt, %add3A_919, %sign3A_1109 : i32
      %sign3A_1111 = arith.extui %sign3A_1110 : i1 to i32
      %sign3A_1112 = arith.constant 0 : i32
      %sign3A_1113 = arith.cmpi slt, %add3A_919, %sign3A_1112 : i32
      %sign3A_1114 = arith.extui %sign3A_1113 : i1 to i32
      %sign3A_1115 = arith.subi %sign3A_1111, %sign3A_1114 : i32
      %sign3A_1116 = arith.constant 0 : i32
      %sign3A_1117 = arith.cmpi sgt, %jit3A_1107, %sign3A_1116 : i32
      %sign3A_1118 = arith.extui %sign3A_1117 : i1 to i32
      %sign3A_1119 = arith.constant 0 : i32
      %sign3A_1120 = arith.cmpi slt, %jit3A_1107, %sign3A_1119 : i32
      %sign3A_1121 = arith.extui %sign3A_1120 : i1 to i32
      %sign3A_1122 = arith.subi %sign3A_1118, %sign3A_1121 : i32
      %ne3A_1123 = arith.cmpi ne, %sign3A_1115, %sign3A_1122 : i32
      %rem3A_1124 = arith.remsi %add3A_919, %jit3A_1107 : i32
      %ne3A_1125 = arith.constant 0 : i32
      %ne3A_1126 = arith.cmpi ne, %rem3A_1124, %ne3A_1125 : i32
      %and3A_1127 = arith.andi %ne3A_1123, %ne3A_1126 : i1
      %sub3A_1128 = arith.constant 1 : i32
      %sub3A_1129 = arith.subi %div3A_1108, %sub3A_1128 : i32
      %select_n3A_1130 = arith.select %and3A_1127, %sub3A_1129, %div3A_1108 : i32
      %jit3A_1131 = arith.constant 2 : i32
      %eq3A_1132 = arith.constant 0 : i32
      %eq3A_1133 = arith.cmpi eq, %jit3A_1131, %eq3A_1132 : i32
      %jit3A_1134 = arith.constant 1 : i32
      %select_n3A_1135 = arith.select %eq3A_1133, %jit3A_1134, %jit3A_1131 : i32
      %rem3A_1136 = arith.remsi %add3A_919, %select_n3A_1135 : i32
      %ne3A_1137 = arith.constant 0 : i32
      %ne3A_1138 = arith.cmpi ne, %rem3A_1136, %ne3A_1137 : i32
      %lt3A_1139 = arith.constant 0 : i32
      %lt3A_1140 = arith.cmpi slt, %rem3A_1136, %lt3A_1139 : i32
      %lt3A_1141 = arith.constant 0 : i32
      %lt3A_1142 = arith.cmpi slt, %select_n3A_1135, %lt3A_1141 : i32
      %ne3A_1143 = arith.xori %lt3A_1140, %lt3A_1142 : i1
      %and3A_1144 = arith.andi %ne3A_1143, %ne3A_1138 : i1
      %add3A_1145 = arith.addi %rem3A_1136, %select_n3A_1135 : i32
      %select_n3A_1146 = arith.select %and3A_1144, %add3A_1145, %rem3A_1136 : i32
      %mul3A_1147 = arith.constant 256 : i32
      %mul3A_1148 = arith.muli %select_n3A_1146, %mul3A_1147 : i32
      %add3A_1149 = arith.addi %mul3A_2, %mul3A_1148 : i32
      %dma_start3A_1150 = arith.constant 0 : i32
      %dma_start3A_1151 = tpu.memref_slice %arg4[%select_n3A_1130, %add3A_1149, %dma_start3A_1150] : memref<50x16384x64xf32, #tpu.memory_space<hbm>> -> memref<1x256x64xf32, #tpu.memory_space<hbm>>
      %dma_start3A_1152 = arith.constant 0 : i32
      %dma_start3A_1153 = tpu.memref_slice %arg4[%select_n3A_1130, %add3A_1149, %dma_start3A_1152] : memref<50x16384x64xf32, #tpu.memory_space<hbm>> -> memref<1x256x64xf32, #tpu.memory_space<hbm>>
      tpu.enqueue_dma source(%arg6 : memref<1x256x64xf32, #tpu.memory_space<vmem>>) target(%dma_start3A_1153 : memref<1x256x64xf32, #tpu.memory_space<hbm>>) target_semaphore(%arg9 : memref<!tpu.dma_semaphore, #tpu.memory_space<semaphore_mem>>)
    }
    %scan3A_268 = arith.constant 31 : i32
    %add3A_269 = arith.constant 256 : i32
    %add3A_270 = arith.addi %mul3A_2, %add3A_269 : i32
    %dma_wait3A_271 = arith.constant 47 : i32
    %dma_wait3A_272 = arith.constant 0 : i32
    %dma_wait3A_273 = tpu.memref_slice %arg4[%dma_wait3A_271, %add3A_270, %dma_wait3A_272] : memref<50x16384x64xf32, #tpu.memory_space<hbm>> -> memref<1x256x64xf32, #tpu.memory_space<hbm>>
    %dma_wait3A_274 = arith.constant 47 : i32
    %dma_wait3A_275 = arith.constant 0 : i32
    %dma_wait3A_276 = tpu.memref_slice %arg4[%dma_wait3A_274, %add3A_270, %dma_wait3A_275] : memref<50x16384x64xf32, #tpu.memory_space<hbm>> -> memref<1x256x64xf32, #tpu.memory_space<hbm>>
    tpu.wait_dma2 semaphore(%arg11 : memref<!tpu.dma_semaphore, #tpu.memory_space<semaphore_mem>>) src(%arg8 : memref<1x256x64xf32, #tpu.memory_space<vmem>>) dst(%dma_wait3A_276 : memref<1x256x64xf32, #tpu.memory_space<hbm>>)
    %dma_start3A_277 = arith.constant 49 : i32
    %dma_start3A_278 = arith.constant 0 : i32
    %dma_start3A_279 = arith.constant 0 : i32
    %dma_start3A_280 = arith.constant 0 : i32
    %dma_start3A_281 = tpu.memref_slice %arg8[%dma_start3A_278, %dma_start3A_279, %dma_start3A_280] : memref<1x256x64xf32, #tpu.memory_space<vmem>> -> memref<1x128x64xf32, #tpu.memory_space<vmem>>
    %dma_start3A_282 = tpu.memref_squeeze %dma_start3A_281 : memref<1x128x64xf32, #tpu.memory_space<vmem>> -> memref<128x64xf32, #tpu.memory_space<vmem>>
    %dma_start3A_283 = arith.constant 0 : i32
    %dma_start3A_284 = tpu.memref_slice %arg5[%dma_start3A_277, %dma_start3A_283] : memref<50x512xi32, #tpu.memory_space<vmem>> -> memref<1x128xi32, #tpu.memory_space<vmem>>
    %dma_start3A_285 = tpu.memref_squeeze %dma_start3A_284 : memref<1x128xi32, #tpu.memory_space<vmem>> -> memref<128xi32, #tpu.memory_space<vmem>>
    %dma_start3A_286 = arith.constant 0 : i32
    %dma_start3A_287 = arith.constant 0 : i32
    %dma_start3A_288 = tpu.memref_slice %arg3[%dma_start3A_286, %dma_start3A_287] : memref<1015808x64xf32, #tpu.memory_space<hbm>> -> memref<1015808x64xf32, #tpu.memory_space<hbm>>
    tpu.enqueue_indirect_dma source(%dma_start3A_288 : memref<1015808x64xf32, #tpu.memory_space<hbm>>) target(%dma_start3A_282 : memref<128x64xf32, #tpu.memory_space<vmem>>) offsets(%dma_start3A_285 : memref<128xi32, #tpu.memory_space<vmem>>) semaphore(%arg11 : memref<!tpu.dma_semaphore, #tpu.memory_space<semaphore_mem>>)
    %dma_start3A_289 = arith.constant 49 : i32
    %dma_start3A_290 = arith.constant 0 : i32
    %dma_start3A_291 = arith.constant 128 : i32
    %dma_start3A_292 = arith.constant 0 : i32
    %dma_start3A_293 = tpu.memref_slice %arg8[%dma_start3A_290, %dma_start3A_291, %dma_start3A_292] : memref<1x256x64xf32, #tpu.memory_space<vmem>> -> memref<1x128x64xf32, #tpu.memory_space<vmem>>
    %dma_start3A_294 = tpu.memref_squeeze %dma_start3A_293 : memref<1x128x64xf32, #tpu.memory_space<vmem>> -> memref<128x64xf32, #tpu.memory_space<vmem>>
    %dma_start3A_295 = arith.constant 128 : i32
    %dma_start3A_296 = tpu.memref_slice %arg5[%dma_start3A_289, %dma_start3A_295] : memref<50x512xi32, #tpu.memory_space<vmem>> -> memref<1x128xi32, #tpu.memory_space<vmem>>
    %dma_start3A_297 = tpu.memref_squeeze %dma_start3A_296 : memref<1x128xi32, #tpu.memory_space<vmem>> -> memref<128xi32, #tpu.memory_space<vmem>>
    %dma_start3A_298 = arith.constant 0 : i32
    %dma_start3A_299 = arith.constant 0 : i32
    %dma_start3A_300 = tpu.memref_slice %arg3[%dma_start3A_298, %dma_start3A_299] : memref<1015808x64xf32, #tpu.memory_space<hbm>> -> memref<1015808x64xf32, #tpu.memory_space<hbm>>
    tpu.enqueue_indirect_dma source(%dma_start3A_300 : memref<1015808x64xf32, #tpu.memory_space<hbm>>) target(%dma_start3A_294 : memref<128x64xf32, #tpu.memory_space<vmem>>) offsets(%dma_start3A_297 : memref<128xi32, #tpu.memory_space<vmem>>) semaphore(%arg11 : memref<!tpu.dma_semaphore, #tpu.memory_space<semaphore_mem>>)
    %dma_wait3A_301 = arith.constant 48 : i32
    %dma_wait3A_302 = arith.constant 0 : i32
    %dma_wait3A_303 = arith.constant 0 : i32
    %dma_wait3A_304 = arith.constant 0 : i32
    %dma_wait3A_305 = tpu.memref_slice %arg7[%dma_wait3A_302, %dma_wait3A_303, %dma_wait3A_304] : memref<1x256x64xf32, #tpu.memory_space<vmem>> -> memref<1x128x64xf32, #tpu.memory_space<vmem>>
    %dma_wait3A_306 = tpu.memref_squeeze %dma_wait3A_305 : memref<1x128x64xf32, #tpu.memory_space<vmem>> -> memref<128x64xf32, #tpu.memory_space<vmem>>
    %dma_wait3A_307 = arith.constant 256 : i32
    %dma_wait3A_308 = tpu.memref_slice %arg5[%dma_wait3A_301, %dma_wait3A_307] : memref<50x512xi32, #tpu.memory_space<vmem>> -> memref<1x128xi32, #tpu.memory_space<vmem>>
    %dma_wait3A_309 = tpu.memref_squeeze %dma_wait3A_308 : memref<1x128xi32, #tpu.memory_space<vmem>> -> memref<128xi32, #tpu.memory_space<vmem>>
    %dma_wait3A_310 = arith.constant 0 : i32
    %dma_wait3A_311 = arith.constant 0 : i32
    %dma_wait3A_312 = tpu.memref_slice %arg3[%dma_wait3A_310, %dma_wait3A_311] : memref<1015808x64xf32, #tpu.memory_space<hbm>> -> memref<1015808x64xf32, #tpu.memory_space<hbm>>
    tpu.wait_indirect_dma semaphore(%arg10 : memref<!tpu.dma_semaphore, #tpu.memory_space<semaphore_mem>>) src(%dma_wait3A_312 : memref<1015808x64xf32, #tpu.memory_space<hbm>>) dst(%dma_wait3A_306 : memref<128x64xf32, #tpu.memory_space<vmem>>)
    %dma_wait3A_313 = arith.constant 48 : i32
    %dma_wait3A_314 = arith.constant 0 : i32
    %dma_wait3A_315 = arith.constant 128 : i32
    %dma_wait3A_316 = arith.constant 0 : i32
    %dma_wait3A_317 = tpu.memref_slice %arg7[%dma_wait3A_314, %dma_wait3A_315, %dma_wait3A_316] : memref<1x256x64xf32, #tpu.memory_space<vmem>> -> memref<1x128x64xf32, #tpu.memory_space<vmem>>
    %dma_wait3A_318 = tpu.memref_squeeze %dma_wait3A_317 : memref<1x128x64xf32, #tpu.memory_space<vmem>> -> memref<128x64xf32, #tpu.memory_space<vmem>>
    %dma_wait3A_319 = arith.constant 384 : i32
    %dma_wait3A_320 = tpu.memref_slice %arg5[%dma_wait3A_313, %dma_wait3A_319] : memref<50x512xi32, #tpu.memory_space<vmem>> -> memref<1x128xi32, #tpu.memory_space<vmem>>
    %dma_wait3A_321 = tpu.memref_squeeze %dma_wait3A_320 : memref<1x128xi32, #tpu.memory_space<vmem>> -> memref<128xi32, #tpu.memory_space<vmem>>
    %dma_wait3A_322 = arith.constant 0 : i32
    %dma_wait3A_323 = arith.constant 0 : i32
    %dma_wait3A_324 = tpu.memref_slice %arg3[%dma_wait3A_322, %dma_wait3A_323] : memref<1015808x64xf32, #tpu.memory_space<hbm>> -> memref<1015808x64xf32, #tpu.memory_space<hbm>>
    tpu.wait_indirect_dma semaphore(%arg10 : memref<!tpu.dma_semaphore, #tpu.memory_space<semaphore_mem>>) src(%dma_wait3A_324 : memref<1015808x64xf32, #tpu.memory_space<hbm>>) dst(%dma_wait3A_318 : memref<128x64xf32, #tpu.memory_space<vmem>>)
    %add3A_325 = arith.constant 256 : i32
    %add3A_326 = arith.addi %mul3A_2, %add3A_325 : i32
    %dma_start3A_327 = arith.constant 48 : i32
    %dma_start3A_328 = arith.constant 0 : i32
    %dma_start3A_329 = tpu.memref_slice %arg4[%dma_start3A_327, %add3A_326, %dma_start3A_328] : memref<50x16384x64xf32, #tpu.memory_space<hbm>> -> memref<1x256x64xf32, #tpu.memory_space<hbm>>
    %dma_start3A_330 = arith.constant 48 : i32
    %dma_start3A_331 = arith.constant 0 : i32
    %dma_start3A_332 = tpu.memref_slice %arg4[%dma_start3A_330, %add3A_326, %dma_start3A_331] : memref<50x16384x64xf32, #tpu.memory_space<hbm>> -> memref<1x256x64xf32, #tpu.memory_space<hbm>>
    tpu.enqueue_dma source(%arg7 : memref<1x256x64xf32, #tpu.memory_space<vmem>>) target(%dma_start3A_332 : memref<1x256x64xf32, #tpu.memory_space<hbm>>) target_semaphore(%arg10 : memref<!tpu.dma_semaphore, #tpu.memory_space<semaphore_mem>>)
    %add3A_333 = arith.constant 0 : i32
    %add3A_334 = arith.addi %mul3A_2, %add3A_333 : i32
    %dma_wait3A_335 = arith.constant 48 : i32
    %dma_wait3A_336 = arith.constant 0 : i32
    %dma_wait3A_337 = tpu.memref_slice %arg4[%dma_wait3A_335, %add3A_334, %dma_wait3A_336] : memref<50x16384x64xf32, #tpu.memory_space<hbm>> -> memref<1x256x64xf32, #tpu.memory_space<hbm>>
    %dma_wait3A_338 = arith.constant 48 : i32
    %dma_wait3A_339 = arith.constant 0 : i32
    %dma_wait3A_340 = tpu.memref_slice %arg4[%dma_wait3A_338, %add3A_334, %dma_wait3A_339] : memref<50x16384x64xf32, #tpu.memory_space<hbm>> -> memref<1x256x64xf32, #tpu.memory_space<hbm>>
    tpu.wait_dma2 semaphore(%arg9 : memref<!tpu.dma_semaphore, #tpu.memory_space<semaphore_mem>>) src(%arg6 : memref<1x256x64xf32, #tpu.memory_space<vmem>>) dst(%dma_wait3A_340 : memref<1x256x64xf32, #tpu.memory_space<hbm>>)
    %dma_start3A_341 = arith.constant 49 : i32
    %dma_start3A_342 = arith.constant 0 : i32
    %dma_start3A_343 = arith.constant 0 : i32
    %dma_start3A_344 = arith.constant 0 : i32
    %dma_start3A_345 = tpu.memref_slice %arg6[%dma_start3A_342, %dma_start3A_343, %dma_start3A_344] : memref<1x256x64xf32, #tpu.memory_space<vmem>> -> memref<1x128x64xf32, #tpu.memory_space<vmem>>
    %dma_start3A_346 = tpu.memref_squeeze %dma_start3A_345 : memref<1x128x64xf32, #tpu.memory_space<vmem>> -> memref<128x64xf32, #tpu.memory_space<vmem>>
    %dma_start3A_347 = arith.constant 256 : i32
    %dma_start3A_348 = tpu.memref_slice %arg5[%dma_start3A_341, %dma_start3A_347] : memref<50x512xi32, #tpu.memory_space<vmem>> -> memref<1x128xi32, #tpu.memory_space<vmem>>
    %dma_start3A_349 = tpu.memref_squeeze %dma_start3A_348 : memref<1x128xi32, #tpu.memory_space<vmem>> -> memref<128xi32, #tpu.memory_space<vmem>>
    %dma_start3A_350 = arith.constant 0 : i32
    %dma_start3A_351 = arith.constant 0 : i32
    %dma_start3A_352 = tpu.memref_slice %arg3[%dma_start3A_350, %dma_start3A_351] : memref<1015808x64xf32, #tpu.memory_space<hbm>> -> memref<1015808x64xf32, #tpu.memory_space<hbm>>
    tpu.enqueue_indirect_dma source(%dma_start3A_352 : memref<1015808x64xf32, #tpu.memory_space<hbm>>) target(%dma_start3A_346 : memref<128x64xf32, #tpu.memory_space<vmem>>) offsets(%dma_start3A_349 : memref<128xi32, #tpu.memory_space<vmem>>) semaphore(%arg9 : memref<!tpu.dma_semaphore, #tpu.memory_space<semaphore_mem>>)
    %dma_start3A_353 = arith.constant 49 : i32
    %dma_start3A_354 = arith.constant 0 : i32
    %dma_start3A_355 = arith.constant 128 : i32
    %dma_start3A_356 = arith.constant 0 : i32
    %dma_start3A_357 = tpu.memref_slice %arg6[%dma_start3A_354, %dma_start3A_355, %dma_start3A_356] : memref<1x256x64xf32, #tpu.memory_space<vmem>> -> memref<1x128x64xf32, #tpu.memory_space<vmem>>
    %dma_start3A_358 = tpu.memref_squeeze %dma_start3A_357 : memref<1x128x64xf32, #tpu.memory_space<vmem>> -> memref<128x64xf32, #tpu.memory_space<vmem>>
    %dma_start3A_359 = arith.constant 384 : i32
    %dma_start3A_360 = tpu.memref_slice %arg5[%dma_start3A_353, %dma_start3A_359] : memref<50x512xi32, #tpu.memory_space<vmem>> -> memref<1x128xi32, #tpu.memory_space<vmem>>
    %dma_start3A_361 = tpu.memref_squeeze %dma_start3A_360 : memref<1x128xi32, #tpu.memory_space<vmem>> -> memref<128xi32, #tpu.memory_space<vmem>>
    %dma_start3A_362 = arith.constant 0 : i32
    %dma_start3A_363 = arith.constant 0 : i32
    %dma_start3A_364 = tpu.memref_slice %arg3[%dma_start3A_362, %dma_start3A_363] : memref<1015808x64xf32, #tpu.memory_space<hbm>> -> memref<1015808x64xf32, #tpu.memory_space<hbm>>
    tpu.enqueue_indirect_dma source(%dma_start3A_364 : memref<1015808x64xf32, #tpu.memory_space<hbm>>) target(%dma_start3A_358 : memref<128x64xf32, #tpu.memory_space<vmem>>) offsets(%dma_start3A_361 : memref<128xi32, #tpu.memory_space<vmem>>) semaphore(%arg9 : memref<!tpu.dma_semaphore, #tpu.memory_space<semaphore_mem>>)
    %dma_wait3A_365 = arith.constant 49 : i32
    %dma_wait3A_366 = arith.constant 0 : i32
    %dma_wait3A_367 = arith.constant 0 : i32
    %dma_wait3A_368 = arith.constant 0 : i32
    %dma_wait3A_369 = tpu.memref_slice %arg8[%dma_wait3A_366, %dma_wait3A_367, %dma_wait3A_368] : memref<1x256x64xf32, #tpu.memory_space<vmem>> -> memref<1x128x64xf32, #tpu.memory_space<vmem>>
    %dma_wait3A_370 = tpu.memref_squeeze %dma_wait3A_369 : memref<1x128x64xf32, #tpu.memory_space<vmem>> -> memref<128x64xf32, #tpu.memory_space<vmem>>
    %dma_wait3A_371 = arith.constant 0 : i32
    %dma_wait3A_372 = tpu.memref_slice %arg5[%dma_wait3A_365, %dma_wait3A_371] : memref<50x512xi32, #tpu.memory_space<vmem>> -> memref<1x128xi32, #tpu.memory_space<vmem>>
    %dma_wait3A_373 = tpu.memref_squeeze %dma_wait3A_372 : memref<1x128xi32, #tpu.memory_space<vmem>> -> memref<128xi32, #tpu.memory_space<vmem>>
    %dma_wait3A_374 = arith.constant 0 : i32
    %dma_wait3A_375 = arith.constant 0 : i32
    %dma_wait3A_376 = tpu.memref_slice %arg3[%dma_wait3A_374, %dma_wait3A_375] : memref<1015808x64xf32, #tpu.memory_space<hbm>> -> memref<1015808x64xf32, #tpu.memory_space<hbm>>
    tpu.wait_indirect_dma semaphore(%arg11 : memref<!tpu.dma_semaphore, #tpu.memory_space<semaphore_mem>>) src(%dma_wait3A_376 : memref<1015808x64xf32, #tpu.memory_space<hbm>>) dst(%dma_wait3A_370 : memref<128x64xf32, #tpu.memory_space<vmem>>)
    %dma_wait3A_377 = arith.constant 49 : i32
    %dma_wait3A_378 = arith.constant 0 : i32
    %dma_wait3A_379 = arith.constant 128 : i32
    %dma_wait3A_380 = arith.constant 0 : i32
    %dma_wait3A_381 = tpu.memref_slice %arg8[%dma_wait3A_378, %dma_wait3A_379, %dma_wait3A_380] : memref<1x256x64xf32, #tpu.memory_space<vmem>> -> memref<1x128x64xf32, #tpu.memory_space<vmem>>
    %dma_wait3A_382 = tpu.memref_squeeze %dma_wait3A_381 : memref<1x128x64xf32, #tpu.memory_space<vmem>> -> memref<128x64xf32, #tpu.memory_space<vmem>>
    %dma_wait3A_383 = arith.constant 128 : i32
    %dma_wait3A_384 = tpu.memref_slice %arg5[%dma_wait3A_377, %dma_wait3A_383] : memref<50x512xi32, #tpu.memory_space<vmem>> -> memref<1x128xi32, #tpu.memory_space<vmem>>
    %dma_wait3A_385 = tpu.memref_squeeze %dma_wait3A_384 : memref<1x128xi32, #tpu.memory_space<vmem>> -> memref<128xi32, #tpu.memory_space<vmem>>
    %dma_wait3A_386 = arith.constant 0 : i32
    %dma_wait3A_387 = arith.constant 0 : i32
    %dma_wait3A_388 = tpu.memref_slice %arg3[%dma_wait3A_386, %dma_wait3A_387] : memref<1015808x64xf32, #tpu.memory_space<hbm>> -> memref<1015808x64xf32, #tpu.memory_space<hbm>>
    tpu.wait_indirect_dma semaphore(%arg11 : memref<!tpu.dma_semaphore, #tpu.memory_space<semaphore_mem>>) src(%dma_wait3A_388 : memref<1015808x64xf32, #tpu.memory_space<hbm>>) dst(%dma_wait3A_382 : memref<128x64xf32, #tpu.memory_space<vmem>>)
    %add3A_389 = arith.constant 0 : i32
    %add3A_390 = arith.addi %mul3A_2, %add3A_389 : i32
    %dma_start3A_391 = arith.constant 49 : i32
    %dma_start3A_392 = arith.constant 0 : i32
    %dma_start3A_393 = tpu.memref_slice %arg4[%dma_start3A_391, %add3A_390, %dma_start3A_392] : memref<50x16384x64xf32, #tpu.memory_space<hbm>> -> memref<1x256x64xf32, #tpu.memory_space<hbm>>
    %dma_start3A_394 = arith.constant 49 : i32
    %dma_start3A_395 = arith.constant 0 : i32
    %dma_start3A_396 = tpu.memref_slice %arg4[%dma_start3A_394, %add3A_390, %dma_start3A_395] : memref<50x16384x64xf32, #tpu.memory_space<hbm>> -> memref<1x256x64xf32, #tpu.memory_space<hbm>>
    tpu.enqueue_dma source(%arg8 : memref<1x256x64xf32, #tpu.memory_space<vmem>>) target(%dma_start3A_396 : memref<1x256x64xf32, #tpu.memory_space<hbm>>) target_semaphore(%arg11 : memref<!tpu.dma_semaphore, #tpu.memory_space<semaphore_mem>>)
    %add3A_397 = arith.constant 256 : i32
    %add3A_398 = arith.addi %mul3A_2, %add3A_397 : i32
    %dma_wait3A_399 = arith.constant 48 : i32
    %dma_wait3A_400 = arith.constant 0 : i32
    %dma_wait3A_401 = tpu.memref_slice %arg4[%dma_wait3A_399, %add3A_398, %dma_wait3A_400] : memref<50x16384x64xf32, #tpu.memory_space<hbm>> -> memref<1x256x64xf32, #tpu.memory_space<hbm>>
    %dma_wait3A_402 = arith.constant 48 : i32
    %dma_wait3A_403 = arith.constant 0 : i32
    %dma_wait3A_404 = tpu.memref_slice %arg4[%dma_wait3A_402, %add3A_398, %dma_wait3A_403] : memref<50x16384x64xf32, #tpu.memory_space<hbm>> -> memref<1x256x64xf32, #tpu.memory_space<hbm>>
    tpu.wait_dma2 semaphore(%arg10 : memref<!tpu.dma_semaphore, #tpu.memory_space<semaphore_mem>>) src(%arg7 : memref<1x256x64xf32, #tpu.memory_space<vmem>>) dst(%dma_wait3A_404 : memref<1x256x64xf32, #tpu.memory_space<hbm>>)
    %dma_wait3A_405 = arith.constant 49 : i32
    %dma_wait3A_406 = arith.constant 0 : i32
    %dma_wait3A_407 = arith.constant 0 : i32
    %dma_wait3A_408 = arith.constant 0 : i32
    %dma_wait3A_409 = tpu.memref_slice %arg6[%dma_wait3A_406, %dma_wait3A_407, %dma_wait3A_408] : memref<1x256x64xf32, #tpu.memory_space<vmem>> -> memref<1x128x64xf32, #tpu.memory_space<vmem>>
    %dma_wait3A_410 = tpu.memref_squeeze %dma_wait3A_409 : memref<1x128x64xf32, #tpu.memory_space<vmem>> -> memref<128x64xf32, #tpu.memory_space<vmem>>
    %dma_wait3A_411 = arith.constant 256 : i32
    %dma_wait3A_412 = tpu.memref_slice %arg5[%dma_wait3A_405, %dma_wait3A_411] : memref<50x512xi32, #tpu.memory_space<vmem>> -> memref<1x128xi32, #tpu.memory_space<vmem>>
    %dma_wait3A_413 = tpu.memref_squeeze %dma_wait3A_412 : memref<1x128xi32, #tpu.memory_space<vmem>> -> memref<128xi32, #tpu.memory_space<vmem>>
    %dma_wait3A_414 = arith.constant 0 : i32
    %dma_wait3A_415 = arith.constant 0 : i32
    %dma_wait3A_416 = tpu.memref_slice %arg3[%dma_wait3A_414, %dma_wait3A_415] : memref<1015808x64xf32, #tpu.memory_space<hbm>> -> memref<1015808x64xf32, #tpu.memory_space<hbm>>
    tpu.wait_indirect_dma semaphore(%arg9 : memref<!tpu.dma_semaphore, #tpu.memory_space<semaphore_mem>>) src(%dma_wait3A_416 : memref<1015808x64xf32, #tpu.memory_space<hbm>>) dst(%dma_wait3A_410 : memref<128x64xf32, #tpu.memory_space<vmem>>)
    %dma_wait3A_417 = arith.constant 49 : i32
    %dma_wait3A_418 = arith.constant 0 : i32
    %dma_wait3A_419 = arith.constant 128 : i32
    %dma_wait3A_420 = arith.constant 0 : i32
    %dma_wait3A_421 = tpu.memref_slice %arg6[%dma_wait3A_418, %dma_wait3A_419, %dma_wait3A_420] : memref<1x256x64xf32, #tpu.memory_space<vmem>> -> memref<1x128x64xf32, #tpu.memory_space<vmem>>
    %dma_wait3A_422 = tpu.memref_squeeze %dma_wait3A_421 : memref<1x128x64xf32, #tpu.memory_space<vmem>> -> memref<128x64xf32, #tpu.memory_space<vmem>>
    %dma_wait3A_423 = arith.constant 384 : i32
    %dma_wait3A_424 = tpu.memref_slice %arg5[%dma_wait3A_417, %dma_wait3A_423] : memref<50x512xi32, #tpu.memory_space<vmem>> -> memref<1x128xi32, #tpu.memory_space<vmem>>
    %dma_wait3A_425 = tpu.memref_squeeze %dma_wait3A_424 : memref<1x128xi32, #tpu.memory_space<vmem>> -> memref<128xi32, #tpu.memory_space<vmem>>
    %dma_wait3A_426 = arith.constant 0 : i32
    %dma_wait3A_427 = arith.constant 0 : i32
    %dma_wait3A_428 = tpu.memref_slice %arg3[%dma_wait3A_426, %dma_wait3A_427] : memref<1015808x64xf32, #tpu.memory_space<hbm>> -> memref<1015808x64xf32, #tpu.memory_space<hbm>>
    tpu.wait_indirect_dma semaphore(%arg9 : memref<!tpu.dma_semaphore, #tpu.memory_space<semaphore_mem>>) src(%dma_wait3A_428 : memref<1015808x64xf32, #tpu.memory_space<hbm>>) dst(%dma_wait3A_422 : memref<128x64xf32, #tpu.memory_space<vmem>>)
    %add3A_429 = arith.constant 256 : i32
    %add3A_430 = arith.addi %mul3A_2, %add3A_429 : i32
    %dma_start3A_431 = arith.constant 49 : i32
    %dma_start3A_432 = arith.constant 0 : i32
    %dma_start3A_433 = tpu.memref_slice %arg4[%dma_start3A_431, %add3A_430, %dma_start3A_432] : memref<50x16384x64xf32, #tpu.memory_space<hbm>> -> memref<1x256x64xf32, #tpu.memory_space<hbm>>
    %dma_start3A_434 = arith.constant 49 : i32
    %dma_start3A_435 = arith.constant 0 : i32
    %dma_start3A_436 = tpu.memref_slice %arg4[%dma_start3A_434, %add3A_430, %dma_start3A_435] : memref<50x16384x64xf32, #tpu.memory_space<hbm>> -> memref<1x256x64xf32, #tpu.memory_space<hbm>>
    tpu.enqueue_dma source(%arg6 : memref<1x256x64xf32, #tpu.memory_space<vmem>>) target(%dma_start3A_436 : memref<1x256x64xf32, #tpu.memory_space<hbm>>) target_semaphore(%arg9 : memref<!tpu.dma_semaphore, #tpu.memory_space<semaphore_mem>>)
    %add3A_437 = arith.constant 0 : i32
    %add3A_438 = arith.addi %mul3A_2, %add3A_437 : i32
    %dma_wait3A_439 = arith.constant 49 : i32
    %dma_wait3A_440 = arith.constant 0 : i32
    %dma_wait3A_441 = tpu.memref_slice %arg4[%dma_wait3A_439, %add3A_438, %dma_wait3A_440] : memref<50x16384x64xf32, #tpu.memory_space<hbm>> -> memref<1x256x64xf32, #tpu.memory_space<hbm>>
    %dma_wait3A_442 = arith.constant 49 : i32
    %dma_wait3A_443 = arith.constant 0 : i32
    %dma_wait3A_444 = tpu.memref_slice %arg4[%dma_wait3A_442, %add3A_438, %dma_wait3A_443] : memref<50x16384x64xf32, #tpu.memory_space<hbm>> -> memref<1x256x64xf32, #tpu.memory_space<hbm>>
    tpu.wait_dma2 semaphore(%arg11 : memref<!tpu.dma_semaphore, #tpu.memory_space<semaphore_mem>>) src(%arg8 : memref<1x256x64xf32, #tpu.memory_space<vmem>>) dst(%dma_wait3A_444 : memref<1x256x64xf32, #tpu.memory_space<hbm>>)
    %add3A_445 = arith.constant 256 : i32
    %add3A_446 = arith.addi %mul3A_2, %add3A_445 : i32
    %dma_wait3A_447 = arith.constant 49 : i32
    %dma_wait3A_448 = arith.constant 0 : i32
    %dma_wait3A_449 = tpu.memref_slice %arg4[%dma_wait3A_447, %add3A_446, %dma_wait3A_448] : memref<50x16384x64xf32, #tpu.memory_space<hbm>> -> memref<1x256x64xf32, #tpu.memory_space<hbm>>
    %dma_wait3A_450 = arith.constant 49 : i32
    %dma_wait3A_451 = arith.constant 0 : i32
    %dma_wait3A_452 = tpu.memref_slice %arg4[%dma_wait3A_450, %add3A_446, %dma_wait3A_451] : memref<50x16384x64xf32, #tpu.memory_space<hbm>> -> memref<1x256x64xf32, #tpu.memory_space<hbm>>
    tpu.wait_dma2 semaphore(%arg9 : memref<!tpu.dma_semaphore, #tpu.memory_space<semaphore_mem>>) src(%arg6 : memref<1x256x64xf32, #tpu.memory_space<vmem>>) dst(%dma_wait3A_452 : memref<1x256x64xf32, #tpu.memory_space<hbm>>)
    return
  }
}

</mosaic_0001>

<sc_bundles>
// kernel: _sc_gather.3.cloned.1.call-start
scs
__scs_entry_jumppad:
0x0: {  	(pc) =	sbr.rel $0x88, $3  }
0x1: {  	(tag) =	ssettag $0x0;
	lr =	simm.s32 $0x1  }
0x2: {  	[smem:$0x3F9F] =	sst lr;
	_ =	strace $0xD0000000  }
0x3: {  	_ = 	snop  }
0x4: {  	_ = 	snop  }
0x5: {  	_ = 	snop  }
0x6: {  	_ = 	snop  }
0x7: {  	_ = 	snop  }
__scs_overlays_trampoline_lowered:
0x8: {  	[smem:$0x3FAE] =	sst s0  }
0x9: {  	[smem:$0x3FAF] =	sst s1  }
0xa: {  	[smem:$0x3FB0] =	sst s2  }
0xb: {  	[smem:$0x3FB1] =	sst s3  }
0xc: {  	[smem:$0x3FB2] =	sst s4  }
0xd: {  	[smem:$0x3FB3] =	sst s5  }
0xe: {  	[smem:$0x3FB4] =	sst s6  }
0xf: {  	[smem:$0x3FB5] =	sst s7  }
0x10: {  	[smem:$0x3FB6] =	sst s8  }
0x11: {  	[smem:$0x3FB7] =	sst s9;
	s0 =	simm.s32 @!p0 $0x0  }
0x12: {  	s1 =	sld [smem:$0x3F9D];
	s0 =	simm.s32 @p0 $0x1  }
0x13: {  	[smem:$0x3FB8] =	sst s0;
	s0 =	simm.s32 @!p1 $0x0  }
0x14: {  	s2 =	sld [smem:$0x3F9C];
	s0 =	simm.s32 @p1 $0x1  }
0x15: {  	[smem:$0x3FB9] =	sst s0;
	s0 =	simm.s32 @!p2 $0x0  }
0x16: {  	s3 =	sld [smem:$0x3FDB];
	s0 =	simm.s32 @p2 $0x1  }
0x17: {  	s4 =	simm.s32 $0x1BF5;
	[smem:$0x3FBB] =	sst s0  }
0x18: {  	s0 =	sld [smem:$0x3F9E];
	_ =	swait.ge [sflag:s4], $0x0  }
0x19: {  	s7 =	sld [smem:$0x3F9F]  }
0x1a: {  	s8 =	sadd.s32 $0xFFFFE003, lr  }
0x1b: {  	s9 =	sadd.s32 $0xFFFFFEF7, lr;
	s5 =	simm.s32 $0xFFFFFFFF;
	p2 =	slt.u32 s8, $0xFFFFF086  }
0x1c: {  	p1 =	slt.u32 s9, $0xF7A;
	s5 =	simm.s32 @!p2 $0x0  }
0x1d: {  	s5 =	simm.s32 @p1 $0x1;
	p0 =	seq.s32 s7, s2  }
0x1e: {  	s7 =	smul.u32 @!p0 $0xF7A, s2;
	p2 =	seq.s32 @!p0 s5, $0x0  }
0x1f: {  	s9 =	smul.u32 $0xF7A, s1;
	s8 =	simm.s32 @!p0 $0x1BF5;
	p2 =	por !p2, p0  }
0x20: {  	[sflag:s8] =	ssyncset.s32 @!p0 $0xFFFFF086;
	s6 =	sadd.s32 @!p0 s3, s7;
	s7 =	simm.s32 @!p0 $0x108  }
0x21: {  	s3 =	sadd.s32 s3, s9;
	s6 =	sadd.s32 @!p0 $0x88, s6;
	s7 =	simm.s32 @p2 $0x1082  }
0x22: {  	[simem:s7], [sflag:s8] =	dma.local @!p0 [hbm:s6], $0xF7A  }
0x23: {  	s9 =	sor.u32 $0xD0000000, s2;
	s6 =	simm.s32 $0x108;
	_ =	swait.ge @!p0 [sflag:s8], $0x0  }
0x24: {  	s3 =	sadd.s32 $0x88, s3;
	s6 =	simm.s32 @!p1 $0x1082;
	[sflag:s4] =	ssyncset.s32 $0xFFFFF086  }
0x25: {  	[simem:s6], [sflag:s4] =	dma.local [hbm:s3], $0xF7A  }
0x26: {  	[smem:$0x3F9F] =	sst s1;
	(tag) =	ssettag s2;
	_ =	strace s9  }
0x27: {  	s1 =	sld [smem:$0x3FAF]  }
0x28: {  	s2 =	sld [smem:$0x3FB0]  }
0x29: {  	s4 =	sld [smem:$0x3FB2]  }
0x2a: {  	p0 =	seq.s32 s5, $0x0;
	s5 =	sld [smem:$0x3FB3]  }
0x2b: {  	s6 =	sld [smem:$0x3FB4]  }
0x2c: {  	s7 =	sld [smem:$0x3FB5]  }
0x2d: {  	s3 =	simm.s32 $0x108;
	s8 =	sld [smem:$0x3FB6]  }
0x2e: {  	s3 =	simm.s32 @!p0 $0x1082;
	s9 =	sld [smem:$0x3FB7]  }
0x2f: {  	lr =	sadd.s32 s0, s3;
	s0 =	sld [smem:$0x3FAE]  }
0x30: {  	s3 =	sld [smem:$0x3FB1]  }
0x31: {  	[smem:$0x3FBA] =	sst s10  }
0x32: {  	s10 =	sld [smem:$0x3FB8];
	_ =	sdelay $0x3  }
0x33: {  	p0 =	seq.s32 s10, $0x1;
	s10 =	sld [smem:$0x3FBA];
	_ =	sdelay $0x3  }
0x34: {  	[smem:$0x3FBA] =	sst s10  }
0x35: {  	s10 =	sld [smem:$0x3FB9];
	_ =	sdelay $0x3  }
0x36: {  	p1 =	seq.s32 s10, $0x1;
	s10 =	sld [smem:$0x3FBA];
	_ =	sdelay $0x3  }
0x37: {  	[smem:$0x3FBA] =	sst s10  }
0x38: {  	s10 =	sld [smem:$0x3FBB]  }
0x39: {  	_ = 	snop;
	(pc) =	sbr.ind lr, $3  }
0x3a: {  	_ = 	snop  }
0x3b: {  	_ = 	snop  }
0x3c: {  	p2 =	seq.s32 s10, $0x1;
	s10 =	sld [smem:$0x3FBA]  }
0x3d: {  	_ =	shalt  }
0x3e: {  	_ =	shalt  }
0x3f: {  	_ =	shalt  }
0x40: {  	_ =	shalt  }
0x41: {  	_ =	shalt  }
0x42: {  	_ =	shalt  }
0x43: {  	_ =	shalt  }
0x44: {  	_ =	shalt  }
0x45: {  	_ =	shalt  }
0x46: {  	_ =	shalt  }
0x47: {  	_ =	shalt  }
0x48: {  	_ =	shalt  }
0x49: {  	_ =	shalt  }
0x4a: {  	_ =	shalt  }
0x4b: {  	_ =	shalt  }
0x4c: {  	_ =	shalt  }
0x4d: {  	_ =	shalt  }
0x4e: {  	_ =	shalt  }
0x4f: {  	_ =	shalt  }
0x50: {  	_ =	shalt  }
0x51: {  	_ =	shalt  }
0x52: {  	_ =	shalt  }
0x53: {  	_ =	shalt  }
0x54: {  	_ =	shalt  }
0x55: {  	_ =	shalt  }
0x56: {  	_ =	shalt  }
0x57: {  	_ =	shalt  }
0x58: {  	_ =	shalt  }
0x59: {  	_ =	shalt  }
0x5a: {  	_ =	shalt  }
0x5b: {  	_ =	shalt  }
0x5c: {  	_ =	shalt  }
0x5d: {  	_ =	shalt  }
0x5e: {  	_ =	shalt  }
0x5f: {  	_ =	shalt  }
0x60: {  	_ =	shalt  }
0x61: {  	_ =	shalt  }
0x62: {  	_ =	shalt  }
0x63: {  	_ =	shalt  }
0x64: {  	_ =	shalt  }
0x65: {  	_ =	shalt  }
0x66: {  	_ =	shalt  }
0x67: {  	_ =	shalt  }
0x68: {  	_ =	shalt  }
0x69: {  	_ =	shalt  }
0x6a: {  	_ =	shalt  }
0x6b: {  	_ =	shalt  }
0x6c: {  	_ =	shalt  }
0x6d: {  	_ =	shalt  }
0x6e: {  	_ =	shalt  }
0x6f: {  	_ =	shalt  }
0x70: {  	_ =	shalt  }
0x71: {  	_ =	shalt  }
0x72: {  	_ =	shalt  }
0x73: {  	_ =	shalt  }
0x74: {  	_ =	shalt  }
0x75: {  	_ =	shalt  }
0x76: {  	_ =	shalt  }
0x77: {  	_ =	shalt  }
0x78: {  	_ =	shalt  }
0x79: {  	_ =	shalt  }
0x7a: {  	_ =	shalt  }
0x7b: {  	_ =	shalt  }
0x7c: {  	_ =	shalt  }
0x7d: {  	_ =	shalt  }
0x7e: {  	_ =	shalt  }
0x7f: {  	_ =	shalt  }
0x80: {  	_ =	shalt  }
0x81: {  	_ =	shalt  }
0x82: {  	_ =	shalt  }
0x83: {  	_ =	shalt  }
0x84: {  	_ =	shalt  }
0x85: {  	_ =	shalt  }
0x86: {  	_ =	shalt  }
0x87: {  	_ =	shalt  }
.Lfunc_end0:
.L_simem_size_0:
called_computation.1_lowered:
.L_overlay_start_0:
0x88: {  	s2 =	sld [smem:$0x3FD9]  }
0x89: {  	s3 =	sld [smem:$0x3FFE];
	_ =	sdelay $0x1  }
0x8a: {  	s1 =	srdreg.scid  }
0x8b: {  	s0 =	sand.u32 $0x1, s1  }
0x8c: {  	s17 =	sshll.u32 s0, $0xA;
	s2 =	sadd.s32 s3, s2  }
0x8d: {  	s2 =	sadd.s32 s2, s17  }
0x8e: {  	[smem:$0x3FC6] =	sst s2  }
0x8f: {  	_ = 	snop  }
0x90: {  	s2 =	sld [smem:$0x3FD0];
	(tm) =	ssettm $0x1  }
0x91: {  	s18 =	sld [smem:$0x3FFB];
	_ =	sdelay $0x3  }
0x92: {  	_ =	strace s18  }
0x93: {  	s3 =	sld [smem:$0x3FFC];
	_ =	sdelay $0x3  }
0x94: {  	_ =	strace s3  }
0x95: {  	s3 =	sld [smem:$0x3FFD];
	_ =	sdelay $0x3  }
0x96: {  	_ =	strace s3  }
0x97: {  	_ =	strace $0x8FFFFFFF  }
0x98: {  	s19 =	sld [smem:$0x3FDB];
	_ =	sdelay $0x1  }
0x99: {  	s4 =	simm.s32 $_scs_section_size  }
0x9a: {  	s5 =	simm.s32 $_size__tile_overlayer_lowered;
	s6 =	simm.s32 $_tile_overlayer_lowered  }
0x9b: {  	s22 =	simm.s32 $0x1BFF;
	s21 =	sshll.u32 s6, $0x1;
	s3 =	sadd.s32 s4, s19  }
0x9c: {  	s7 =	simm.s32 $0x0;
	s20 =	sshll.u32 s5, $0x1;
	s5 =	sadd.s32 s21, s3  }
0x9d: {  	[timem:s7], [sflag:s22] =	dma.local [hbm:s5], s20  }
0x9e: {  	_ =	swait.ge [sflag:s22], s20  }
0x9f: {  	s4 =	ssub.s32 $0x0, s20;
	[sflag:s22] =	ssyncset.done $0x0  }
0xa0: {  	[sflag:s22] =	ssyncadd.s32 s4;
	_ =	sdelay $0x1  }
0xa1: {  	s23 =	simm.s32 $0x1B8B  }
0xa2: {  	_ =	swait.ge [sflag:s23], $0x1  }
0xa3: {  	[sflag:s23] =	ssyncset.done $0x0  }
0xa4: {  	s25 =	simm.s32 $0x1B8E;
	s24 =	sld [smem:$0x3FFE];
	[sflag:s23] =	ssyncadd.s32 $0xFFFFFFFF  }
0xa5: {  	s26 =	simm.s32 $execute0_lowered;
	[smem:$0x3FD2] =	sst s25  }
0xa6: {  	s5 =	sshll.u32 s26, $0x1;
	_ =	strace $0x80000046;
	[dreg:$0x1] =	wrdreg $0xFFFFFFFF  }
0xa7: {  	s28 =	simm.s32 $_size_execute0_lowered;
	s3 =	sadd.s32 s3, s5;
	[dreg:$0x0] =	wrdreg $0x0  }
0xa8: {  	s5 =	sshll.u32 s28, $0x1;
	[dreg:$0x2] =	wrdreg s3  }
0xa9: {  	[dreg:$0x3] =	wrdreg s5  }
0xaa: {  	[dreg:$0x4] =	wrdreg $0xC0  }
0xab: {  	_ =	task [dreg:s7], $0x5FFFF  }
0xac: {  	[dreg:$0x1] =	wrdreg $0xFFFFFFFF  }
0xad: {  	[dreg:$0x0] =	wrdreg $0x60  }
0xae: {  	[dreg:$0x2] =	wrdreg s24  }
0xaf: {  	[dreg:$0x3] =	wrdreg s2  }
0xb0: {  	[dreg:$0x4] =	wrdreg $0x9  }
0xb1: {  	_ =	task.clear_ibuf [dreg:s7], $0x5FFFF;
	_ =	strace $0x90000046  }
0xb2: {  	s29 =	simm.s32 $0x9;
	_ =	strace $0x80000048  }
0xb3: {  	_ =	swait.ge [sflag:s29], $0x1  }
0xb4: {  	[sflag:s29] =	ssyncadd.s32 $0xFFFFFFFF  }
0xb5: {  	_ =	strace $0x90000048  }
0xb6: {  	_ =	sfence  }
0xb7: {  	s30 =	sld [smem:$0x0];
	_ =	sdelay $0x2  }
0xb8: {  	s31 =	sshll.u32 s1, $0xD;
	s1 =	sshrl.u32 s1, $0x2  }
0xb9: {  	s3 =	sand.u32 $0x4000, s31;
	s1 =	sadd.s32 s1, s30  }
0xba: {  	s0 =	sor.u32 s3, s0;
	s1 =	sshll.u32 s1, $0x11  }
0xbb: {  	s0 =	sor.u32 s1, s0  }
0xbc: {  	s0 =	sadd.s32 $0x8F2B, s0  }
0xbd: {  	[sflag:s0] =	ssyncadd.remote.s32 $0x1  }
0xbe: {  	_ =	sfence.sel $0xFFFF  }
0xbf: {  	[dreg:$0x0] =	wrdreg $0xFFFFFFFF;
	(pc) =	sbr.abs _section_cstart, $3  }
0xc0: {  	[dreg:$0x1] =	wrdreg $0xFFFFFFFF  }
0xc1: {  	_ =	task.clear_ibuf [dreg:s7], $0x2FFFF;
	_ =	strace $0x9FFFFFFF  }
0xc2: {  	(tm) =	ssettm $0x7FFFFFFF  }
0xc3: {  	_ =	shalt  }
tec
execute0_lowered:
.L_overlay_start_1:
0x0: {  	(tag) =	ssettag $0x1  }
0x1: {  	s0 =	rddreg [dreg:$0x0]  }
0x2: {  	s2 =	rddreg [dreg:$0x1];
	s1 =	srdreg.scid  }
0x3: {  	s4 =	stileid.u32;
	s3 =	simm.s32 $0x0;
	s1 =	sand.u32 $0x1, s1  }
0x4: {  	s4 =	sshll.u32 s4, $0xA;
	[smem:$0x7FF] =	sst s3;
	s5 =	sshll.u32 s1, $0x9  }
0x5: {  	_ =	strace $0x80000047;
	s1 =	ssub.s32 $0x2, s1;
	s4 =	sor.u32 s5, s4  }
0x6: {  	s6 =	sshrl.u32 s1, $0x1;
	s5 =	sshrl.u32 s4, $0x3;
	s8 =	sshll.u32 s4, $0x3  }
0x7: {  	s21 =	ssub.s32 s1, s6;
	s7 =	sadd.s32 s5, s0;
	s22 =	sadd.s32 s2, s8  }
0x8: {  	s5 =	sadd.s32 $0xF80A00, s0;
	s0 =	smax.u32 s21, $0x1;
	[dreg:$0x3] =	wrdreg s22  }
0x9: {  	s17 =	simm.s32 $0x4;
	s23 =	sadd.s32 $0xA00, s7;
	[dreg:$0xb] =	wrdreg s0  }
0xa: {  	s18 =	simm.s32 $0x80;
	s24 =	sadd.s32 $0x800, s22;
	[dreg:$0x4] =	wrdreg s23  }
0xb: {  	s19 =	simm.s32 $0x6400;
	s25 =	sadd.s32 $0x20000, s22;
	[dreg:$0x5] =	wrdreg s24  }
0xc: {  	s20 =	simm.s32 $0x8400;
	s26 =	sadd.s32 $0x20800, s22;
	[dreg:$0x6] =	wrdreg s25  }
0xd: {  	s29 =	simm.s32 $0x10400;
	s28 =	sadd.s32 $0x600800, s22;
	[dreg:$0x7] =	wrdreg s26  }
0xe: {  	s30 =	simm.s32 $0x2;
	s31 =	sadd.s32 $0x620000, s22;
	[dreg:$0x8] =	wrdreg s28  }
0xf: {  	s16 =	simm.s32 $0x0;
	s1 =	sadd.s32 $0x620800, s22;
	[dreg:$0x9] =	wrdreg s31  }
0x10: {  	s22 =	simm.s32 $0xA400;
	[dreg:$0xa] =	wrdreg s1;
	s24 =	simm.s32 $0xC400  }
0x11: {  	s25 =	simm.s32 $0x1;
	s26 =	simm.s32 $0xE400;
	s1 =	simm.s32 $0x3  }
.LBB2_1:
0x12: {  	s0 =	rddreg [dreg:$0x4];
	s6 =	simm.s32 $0x200;
	s7 =	simm.s32 $0x4000  }
0x13: {  	[tilespmem:s3], [sflag:$0x4] =	stream.strided.gather [hbm4b:s0+s6], $0x6400, s7, s6, $0x38;
	[tilespmem:$0x12400] =	vst v63  }
0x14: {  	_ =	swait.ge [sflag:s17], $0x6400  }
0x15: {  	[sflag:s17] =	ssyncset.done $0x0  }
0x16: {  	[sflag:s17] =	ssyncadd.s32 $0xFFFF9C00  }
0x17: {  	[tilespmem:s19], [sflag:$0x1] =	stream.indirect.gather [hbm4b:s5+s18], $0x40, s3, s18, $0xb8;
	[tilespmem:$0x12400] =	vst v63  }
0x18: {  	_ = 	snop  }
0x19: {  	[tilespmem:s20], [sflag:$0x1] =	stream.indirect.gather [hbm4b:s5+s18], $0x40, s18, s18, $0xb8;
	[tilespmem:$0x12400] =	vst v63  }
0x1a: {  	s15 =	simm.s32 $0x100  }
0x1b: {  	[tilespmem:s22], [sflag:$0x2] =	stream.indirect.gather [hbm4b:s5+s18], $0x40, s15, s18, $0xb8;
	[tilespmem:$0x12400] =	vst v63  }
0x1c: {  	s21 =	simm.s32 $0x180  }
0x1d: {  	[tilespmem:s24], [sflag:$0x2] =	stream.indirect.gather [hbm4b:s5+s18], $0x40, s21, s18, $0xb8;
	[tilespmem:$0x12400] =	vst v63  }
0x1e: {  	_ =	swait.ge [sflag:s25], $0x2000  }
0x1f: {  	[sflag:s25] =	ssyncset.done $0x0  }
0x20: {  	[sflag:s25] =	ssyncadd.s32 $0xFFFFE000  }
0x21: {  	_ =	swait.ge [sflag:s25], $0x2000  }
0x22: {  	[sflag:s25] =	ssyncset.done $0x0  }
0x23: {  	s23 =	rddreg [dreg:$0x3];
	[sflag:s25] =	ssyncadd.s32 $0xFFFFE000  }
0x24: {  	[hbm4b:s23+s3] =	stream.linear.scatter [tilespmem:s19], [sflag:$0x1], $0x4000, $0x38;
	[tilespmem:$0x12400] =	vst v63  }
0x25: {  	_ = 	snop  }
0x26: {  	[tilespmem:s26], [sflag:$0x3] =	stream.indirect.gather [hbm4b:s5+s18], $0x40, s6, s18, $0xb8;
	[tilespmem:$0x12400] =	vst v63  }
0x27: {  	s7 =	simm.s32 $0x280  }
0x28: {  	[tilespmem:s29], [sflag:$0x3] =	stream.indirect.gather [hbm4b:s5+s18], $0x40, s7, s18, $0xb8;
	[tilespmem:$0x12400] =	vst v63  }
0x29: {  	_ =	swait.ge [sflag:s30], $0x2000  }
0x2a: {  	[sflag:s30] =	ssyncset.done $0x0  }
0x2b: {  	[sflag:s30] =	ssyncadd.s32 $0xFFFFE000  }
0x2c: {  	_ =	swait.ge [sflag:s30], $0x2000  }
0x2d: {  	[sflag:s30] =	ssyncset.done $0x0  }
0x2e: {  	s8 =	rddreg [dreg:$0x5];
	[sflag:s30] =	ssyncadd.s32 $0xFFFFE000  }
0x2f: {  	[hbm4b:s8+s3] =	stream.linear.scatter [tilespmem:s22], [sflag:$0x2], $0x4000, $0x38;
	[tilespmem:$0x12400] =	vst v63  }
0x30: {  	_ =	swait.ge [sflag:s25], $0x4000  }
0x31: {  	[sflag:s25] =	ssyncset.done $0x0  }
0x32: {  	s9 =	simm.s32 $0x300;
	[sflag:s25] =	ssyncadd.s32 $0xFFFFC000  }
0x33: {  	[tilespmem:s19], [sflag:$0x1] =	stream.indirect.gather [hbm4b:s5+s18], $0x40, s9, s18, $0xb8;
	[tilespmem:$0x12400] =	vst v63  }
0x34: {  	s10 =	simm.s32 $0x380  }
0x35: {  	[tilespmem:s20], [sflag:$0x1] =	stream.indirect.gather [hbm4b:s5+s18], $0x40, s10, s18, $0xb8;
	[tilespmem:$0x12400] =	vst v63  }
0x36: {  	_ =	swait.ge [sflag:s1], $0x2000  }
0x37: {  	[sflag:s1] =	ssyncset.done $0x0  }
0x38: {  	[sflag:s1] =	ssyncadd.s32 $0xFFFFE000  }
0x39: {  	_ =	swait.ge [sflag:s1], $0x2000  }
0x3a: {  	[sflag:s1] =	ssyncset.done $0x0  }
0x3b: {  	s11 =	rddreg [dreg:$0x6];
	[sflag:s1] =	ssyncadd.s32 $0xFFFFE000  }
0x3c: {  	[hbm4b:s11+s3] =	stream.linear.scatter [tilespmem:s26], [sflag:$0x3], $0x4000, $0x38;
	[tilespmem:$0x12400] =	vst v63  }
0x3d: {  	_ =	swait.ge [sflag:s30], $0x4000  }
0x3e: {  	[sflag:s30] =	ssyncset.done $0x0  }
0x3f: {  	s12 =	simm.s32 $0x400;
	[sflag:s30] =	ssyncadd.s32 $0xFFFFC000  }
0x40: {  	[tilespmem:s22], [sflag:$0x2] =	stream.indirect.gather [hbm4b:s5+s18], $0x40, s12, s18, $0xb8;
	[tilespmem:$0x12400] =	vst v63  }
0x41: {  	s13 =	simm.s32 $0x480  }
0x42: {  	[tilespmem:s24], [sflag:$0x2] =	stream.indirect.gather [hbm4b:s5+s18], $0x40, s13, s18, $0xb8;
	[tilespmem:$0x12400] =	vst v63  }
0x43: {  	_ =	swait.ge [sflag:s25], $0x2000  }
0x44: {  	[sflag:s25] =	ssyncset.done $0x0  }
0x45: {  	[sflag:s25] =	ssyncadd.s32 $0xFFFFE000  }
0x46: {  	_ =	swait.ge [sflag:s25], $0x2000  }
0x47: {  	[sflag:s25] =	ssyncset.done $0x0  }
0x48: {  	s14 =	rddreg [dreg:$0x7];
	[sflag:s25] =	ssyncadd.s32 $0xFFFFE000  }
0x49: {  	[hbm4b:s14+s3] =	stream.linear.scatter [tilespmem:s19], [sflag:$0x1], $0x4000, $0x38;
	[tilespmem:$0x12400] =	vst v63  }
0x4a: {  	s15 =	simm.s32 $0x500;
	s21 =	simm.s32 $0x500;
	_ =	swait.ge [sflag:s1], $0x4000  }
0x4b: {  	s0 =	sand.u32 $0x100, s15;
	s7 =	sand.u32 $0x3FFFFE00, s21;
	[sflag:s1] =	ssyncset.done $0x0  }
0x4c: {  	s7 =	sor.u32 s0, s7;
	[sflag:s1] =	ssyncadd.s32 $0xFFFFC000  }
0x4d: {  	[tilespmem:s26], [sflag:$0x3] =	stream.indirect.gather [hbm4b:s5+s18], $0x40, s7, s18, $0xb8;
	[tilespmem:$0x12400] =	vst v63  }
0x4e: {  	s7 =	sor.u32 $0x80, s7  }
0x4f: {  	[tilespmem:s29], [sflag:$0x3] =	stream.indirect.gather [hbm4b:s5+s18], $0x40, s7, s18, $0xb8;
	[tilespmem:$0x12400] =	vst v63  }
0x50: {  	s23 =	sand.u32 $0x100, s3;
	_ =	swait.ge [sflag:s30], $0x2000  }
0x51: {  	s8 =	simm.s32 $0x200000;
	s9 =	sor.u32 s4, s23;
	[sflag:s30] =	ssyncset.done $0x0  }
0x52: {  	s8 =	sand.u32 $0x7F00000, s8;
	s10 =	sshll.u32 s9, $0x6;
	[sflag:s30] =	ssyncadd.s32 $0xFFFFE000  }
0x53: {  	s8 =	sor.u32 s8, s10;
	_ =	swait.ge [sflag:s30], $0x2000  }
0x54: {  	s8 =	sshrl.u32 s8, $0x3;
	[sflag:s30] =	ssyncset.done $0x0  }
0x55: {  	s8 =	sadd.s32 s2, s8;
	[sflag:s30] =	ssyncadd.s32 $0xFFFFE000  }
0x56: {  	[hbm4b:s8+s3] =	stream.linear.scatter [tilespmem:s22], [sflag:$0x2], $0x4000, $0x38;
	[tilespmem:$0x12400] =	vst v63  }
0x57: {  	s6 =	simm.s32 $0x600;
	_ =	swait.ge [sflag:s25], $0x4000  }
0x58: {  	s8 =	sand.u32 $0x3FFFFE00, s6;
	[sflag:s25] =	ssyncset.done $0x0  }
0x59: {  	s7 =	sor.u32 s23, s8;
	[sflag:s25] =	ssyncadd.s32 $0xFFFFC000  }
0x5a: {  	[tilespmem:s19], [sflag:$0x1] =	stream.indirect.gather [hbm4b:s5+s18], $0x40, s7, s18, $0xb8;
	[tilespmem:$0x12400] =	vst v63  }
0x5b: {  	s7 =	sor.u32 $0x80, s7  }
0x5c: {  	[tilespmem:s20], [sflag:$0x1] =	stream.indirect.gather [hbm4b:s5+s18], $0x40, s7, s18, $0xb8;
	[tilespmem:$0x12400] =	vst v63  }
0x5d: {  	_ =	swait.ge [sflag:s1], $0x2000  }
0x5e: {  	[sflag:s1] =	ssyncset.done $0x0  }
0x5f: {  	s10 =	simm.s32 $0x50000;
	[sflag:s1] =	ssyncadd.s32 $0xFFFFE000  }
0x60: {  	s0 =	sor.u32 s4, s0;
	s7 =	sand.u32 $0xFFFE0000, s10;
	_ =	swait.ge [sflag:s1], $0x2000  }
0x61: {  	s0 =	sshll.u32 s0, $0x3;
	s7 =	sadd.s32 s2, s7;
	[sflag:s1] =	ssyncset.done $0x0  }
0x62: {  	s0 =	sadd.s32 s0, s7;
	[sflag:s1] =	ssyncadd.s32 $0xFFFFE000  }
0x63: {  	[hbm4b:s0+s3] =	stream.linear.scatter [tilespmem:s26], [sflag:$0x3], $0x4000, $0x38;
	[tilespmem:$0x12400] =	vst v63  }
0x64: {  	_ =	swait.ge [sflag:s30], $0x4000  }
0x65: {  	s11 =	simm.s32 $0x700;
	[sflag:s30] =	ssyncset.done $0x0  }
0x66: {  	s31 =	simm.s32 $0x8;
	s0 =	sand.u32 $0xFF00, s11;
	[sflag:s30] =	ssyncadd.s32 $0xFFFFC000  }
0x67: {  	[tilespmem:s22], [sflag:$0x2] =	stream.indirect.gather [hbm4b:s5+s18], $0x40, s0, s18, $0xb8;
	[tilespmem:$0x12400] =	vst v63  }
0x68: {  	s28 =	simm.s32 $0xA00;
	s15 =	simm.s32 $0xC;
	s0 =	sor.u32 $0x80, s0  }
0x69: {  	[tilespmem:s24], [sflag:$0x2] =	stream.indirect.gather [hbm4b:s5+s18], $0x40, s0, s18, $0xb8;
	[tilespmem:$0x12400] =	vst v63  }
0x6a: {  	s21 =	simm.s32 $0x9;
	s13 =	sshll.u32 s9, $0x3;
	_ =	swait.ge [sflag:s25], $0x2000  }
0x6b: {  	s12 =	simm.s32 $0x80000;
	s9 =	sadd.s32 s2, s13;
	[sflag:s25] =	ssyncset.done $0x0  }
0x6c: {  	s14 =	simm.s32 $0x60000;
	s23 =	sand.u32 $0xFFFE0000, s12;
	[sflag:s25] =	ssyncadd.s32 $0xFFFFE000  }
0x6d: {  	s8 =	simm.s32 $0x500000;
	s10 =	sand.u32 $0xFFFE0000, s14;
	_ =	swait.ge [sflag:s25], $0x2000  }
0x6e: {  	s9 =	sadd.s32 s10, s9;
	s7 =	simm.s32 $0x380000;
	[sflag:s25] =	ssyncset.done $0x0  }
0x6f: {  	s11 =	simm.s32 $0x800;
	s0 =	simm.s32 $0x100;
	[sflag:s25] =	ssyncadd.s32 $0xFFFFE000  }
.LBB2_2:
0x70: {  	[hbm4b:s9+s3] =	stream.linear.scatter [tilespmem:s19], [sflag:$0x1], $0x4000, $0x38;
	[tilespmem:$0x12400] =	vst v63  }
0x71: {  	s12 =	smov.u32 s8;
	s9 =	smov.u32 s21;
	s21 =	smov.u32 s15  }
0x72: {  	s10 =	sshll.u32 s31, $0x8;
	s31 =	sadd.s32 $0xFFFFFFFF, s15;
	_ =	swait.ge [sflag:s1], $0x4000  }
0x73: {  	s11 =	sand.u32 $0x100, s11;
	s10 =	sand.u32 $0x3FFFFE00, s10;
	[sflag:s1] =	ssyncset.done $0x0  }
0x74: {  	s10 =	sor.u32 s11, s10;
	s11 =	sor.u32 s4, s11;
	[sflag:s1] =	ssyncadd.s32 $0xFFFFC000  }
0x75: {  	[tilespmem:s26], [sflag:$0x3] =	stream.indirect.gather [hbm4b:s5+s18], $0x40, s10, s18, $0xb8;
	[tilespmem:$0x12400] =	vst v63  }
0x76: {  	s13 =	sshll.u32 s31, $0x10;
	s11 =	sshll.u32 s11, $0x3;
	s10 =	sor.u32 $0x80, s10  }
0x77: {  	[tilespmem:s29], [sflag:$0x3] =	stream.indirect.gather [hbm4b:s5+s18], $0x40, s10, s18, $0xb8;
	[tilespmem:$0x12400] =	vst v63  }
0x78: {  	s14 =	sand.u32 $0x100, s0;
	s13 =	sand.u32 $0xFFFE0000, s13;
	_ =	swait.ge [sflag:s30], $0x2000  }
0x79: {  	s7 =	sand.u32 $0x7F00000, s7;
	s10 =	sor.u32 s4, s14;
	[sflag:s30] =	ssyncset.done $0x0  }
0x7a: {  	s6 =	sshll.u32 s10, $0x6;
	s10 =	sshll.u32 s10, $0x3;
	[sflag:s30] =	ssyncadd.s32 $0xFFFFE000  }
0x7b: {  	s6 =	sor.u32 s7, s6;
	s10 =	sadd.s32 s2, s10;
	_ =	swait.ge [sflag:s30], $0x2000  }
0x7c: {  	p0 =	sne.s32 s8, $0x2F00000;
	s6 =	sshrl.u32 s6, $0x3;
	[sflag:s30] =	ssyncset.done $0x0  }
0x7d: {  	s8 =	sadd.s32 $0x180000, s8;
	s6 =	sadd.s32 s2, s6;
	[sflag:s30] =	ssyncadd.s32 $0xFFFFE000  }
0x7e: {  	[hbm4b:s6+s3] =	stream.linear.scatter [tilespmem:s22], [sflag:$0x2], $0x4000, $0x38;
	[tilespmem:$0x12400] =	vst v63  }
0x7f: {  	s7 =	smov.u32 s12;
	s6 =	sshll.u32 s9, $0x8;
	_ =	swait.ge [sflag:s25], $0x4000  }
0x80: {  	s6 =	sand.u32 $0x3FFFFE00, s6;
	[sflag:s25] =	ssyncset.done $0x0  }
0x81: {  	s6 =	sor.u32 s14, s6;
	[sflag:s25] =	ssyncadd.s32 $0xFFFFC000  }
0x82: {  	[tilespmem:s19], [sflag:$0x1] =	stream.indirect.gather [hbm4b:s5+s18], $0x40, s6, s18, $0xb8;
	[tilespmem:$0x12400] =	vst v63  }
0x83: {  	s6 =	sor.u32 $0x80, s6  }
0x84: {  	[tilespmem:s20], [sflag:$0x1] =	stream.indirect.gather [hbm4b:s5+s18], $0x40, s6, s18, $0xb8;
	[tilespmem:$0x12400] =	vst v63  }
0x85: {  	_ =	swait.ge [sflag:s1], $0x2000  }
0x86: {  	[sflag:s1] =	ssyncset.done $0x0  }
0x87: {  	[sflag:s1] =	ssyncadd.s32 $0xFFFFE000  }
0x88: {  	_ =	swait.ge [sflag:s1], $0x2000  }
0x89: {  	s6 =	sadd.s32 s2, s23;
	s23 =	smov.u32 s13;
	[sflag:s1] =	ssyncset.done $0x0  }
0x8a: {  	s6 =	sadd.s32 s11, s6;
	[sflag:s1] =	ssyncadd.s32 $0xFFFFE000  }
0x8b: {  	[hbm4b:s6+s3] =	stream.linear.scatter [tilespmem:s26], [sflag:$0x3], $0x4000, $0x38;
	[tilespmem:$0x12400] =	vst v63  }
0x8c: {  	_ =	swait.ge [sflag:s30], $0x4000  }
0x8d: {  	[sflag:s30] =	ssyncset.done $0x0  }
0x8e: {  	s6 =	sand.u32 $0xFF00, s28;
	[sflag:s30] =	ssyncadd.s32 $0xFFFFC000  }
0x8f: {  	[tilespmem:s22], [sflag:$0x2] =	stream.indirect.gather [hbm4b:s5+s18], $0x40, s6, s18, $0xb8;
	[tilespmem:$0x12400] =	vst v63  }
0x90: {  	s6 =	sor.u32 $0x80, s6  }
0x91: {  	[tilespmem:s24], [sflag:$0x2] =	stream.indirect.gather [hbm4b:s5+s18], $0x40, s6, s18, $0xb8;
	[tilespmem:$0x12400] =	vst v63  }
0x92: {  	_ =	swait.ge [sflag:s25], $0x2000  }
.Ltmp0:
0x93: {  	[sflag:s25] =	ssyncset.done $0x0;
	(pc) =	sbr.rel @p0 .LBB2_2-.Ltmp0, $4  }
0x94: {  	s0 =	sadd.s32 $0x100, s0;
	[sflag:s25] =	ssyncadd.s32 $0xFFFFE000  }
0x95: {  	s28 =	sadd.s32 $0x300, s28;
	s6 =	sshll.u32 s9, $0x10;
	_ =	swait.ge [sflag:s25], $0x2000  }
0x96: {  	s15 =	sadd.s32 $0x3, s15;
	s6 =	sand.u32 $0xFFFE0000, s6;
	[sflag:s25] =	ssyncset.done $0x0  }
0x97: {  	s11 =	sadd.s32 $0xFFFFFE00, s28;
	s9 =	sadd.s32 s6, s10;
	[sflag:s25] =	ssyncadd.s32 $0xFFFFE000  }
0x98: {  	[hbm4b:s9+s3] =	stream.linear.scatter [tilespmem:s19], [sflag:$0x1], $0x4000, $0x38;
	[tilespmem:$0x12400] =	vst v63  }
0x99: {  	s6 =	sshll.u32 s31, $0x8;
	_ =	swait.ge [sflag:s1], $0x4000  }
0x9a: {  	s8 =	sand.u32 $0x100, s11;
	s6 =	sand.u32 $0x3FFFFE00, s6;
	[sflag:s1] =	ssyncset.done $0x0  }
0x9b: {  	s6 =	sor.u32 s8, s6;
	[sflag:s1] =	ssyncadd.s32 $0xFFFFC000  }
0x9c: {  	[tilespmem:s26], [sflag:$0x3] =	stream.indirect.gather [hbm4b:s5+s18], $0x40, s6, s18, $0xb8;
	[tilespmem:$0x12400] =	vst v63  }
0x9d: {  	s6 =	sor.u32 $0x80, s6  }
0x9e: {  	[tilespmem:s29], [sflag:$0x3] =	stream.indirect.gather [hbm4b:s5+s18], $0x40, s6, s18, $0xb8;
	[tilespmem:$0x12400] =	vst v63  }
0x9f: {  	s0 =	sand.u32 $0x100, s0;
	_ =	swait.ge [sflag:s30], $0x2000  }
0xa0: {  	s14 =	sor.u32 s4, s0;
	[sflag:s30] =	ssyncset.done $0x0  }
0xa1: {  	s7 =	sand.u32 $0x7F00000, s7;
	s15 =	sshll.u32 s14, $0x6;
	[sflag:s30] =	ssyncadd.s32 $0xFFFFE000  }
0xa2: {  	s7 =	sor.u32 s7, s15;
	_ =	swait.ge [sflag:s30], $0x2000  }
0xa3: {  	s7 =	sshrl.u32 s7, $0x3;
	[sflag:s30] =	ssyncset.done $0x0  }
0xa4: {  	s7 =	sadd.s32 s2, s7;
	[sflag:s30] =	ssyncadd.s32 $0xFFFFE000  }
0xa5: {  	[hbm4b:s7+s3] =	stream.linear.scatter [tilespmem:s22], [sflag:$0x2], $0x4000, $0x38;
	[tilespmem:$0x12400] =	vst v63  }
0xa6: {  	s31 =	sshll.u32 s21, $0x8;
	_ =	swait.ge [sflag:s25], $0x4000  }
0xa7: {  	s7 =	sand.u32 $0x3FFFFE00, s31;
	[sflag:s25] =	ssyncset.done $0x0  }
0xa8: {  	s0 =	sor.u32 s0, s7;
	[sflag:s25] =	ssyncadd.s32 $0xFFFFC000  }
0xa9: {  	[tilespmem:s19], [sflag:$0x1] =	stream.indirect.gather [hbm4b:s5+s18], $0x40, s0, s18, $0xb8;
	[tilespmem:$0x12400] =	vst v63  }
0xaa: {  	s0 =	sor.u32 $0x80, s0  }
0xab: {  	[tilespmem:s20], [sflag:$0x1] =	stream.indirect.gather [hbm4b:s5+s18], $0x40, s0, s18, $0xb8;
	[tilespmem:$0x12400] =	vst v63  }
0xac: {  	_ =	swait.ge [sflag:s1], $0x2000  }
0xad: {  	[sflag:s1] =	ssyncset.done $0x0  }
0xae: {  	[sflag:s1] =	ssyncadd.s32 $0xFFFFE000  }
0xaf: {  	s7 =	sor.u32 s4, s8;
	_ =	swait.ge [sflag:s1], $0x2000  }
0xb0: {  	s8 =	sadd.s32 s2, s23;
	s0 =	sshll.u32 s7, $0x3;
	[sflag:s1] =	ssyncset.done $0x0  }
0xb1: {  	s0 =	sadd.s32 s0, s8;
	[sflag:s1] =	ssyncadd.s32 $0xFFFFE000  }
0xb2: {  	[hbm4b:s0+s3] =	stream.linear.scatter [tilespmem:s26], [sflag:$0x3], $0x4000, $0x38;
	[tilespmem:$0x12400] =	vst v63  }
0xb3: {  	_ =	swait.ge [sflag:s30], $0x4000  }
0xb4: {  	[sflag:s30] =	ssyncset.done $0x0  }
0xb5: {  	s9 =	sand.u32 $0xFF00, s28;
	[sflag:s30] =	ssyncadd.s32 $0xFFFFC000  }
0xb6: {  	[tilespmem:s22], [sflag:$0x2] =	stream.indirect.gather [hbm4b:s5+s18], $0x40, s9, s18, $0xb8;
	[tilespmem:$0x12400] =	vst v63  }
0xb7: {  	s0 =	sor.u32 $0x80, s9  }
0xb8: {  	[tilespmem:s24], [sflag:$0x2] =	stream.indirect.gather [hbm4b:s5+s18], $0x40, s0, s18, $0xb8;
	[tilespmem:$0x12400] =	vst v63  }
0xb9: {  	_ =	swait.ge [sflag:s25], $0x2000  }
0xba: {  	[sflag:s25] =	ssyncset.done $0x0  }
0xbb: {  	[sflag:s25] =	ssyncadd.s32 $0xFFFFE000  }
0xbc: {  	s11 =	sshll.u32 s21, $0x10;
	s10 =	sshll.u32 s14, $0x3;
	_ =	swait.ge [sflag:s25], $0x2000  }
0xbd: {  	s6 =	sand.u32 $0xFFFE0000, s11;
	s0 =	sadd.s32 s2, s10;
	[sflag:s25] =	ssyncset.done $0x0  }
0xbe: {  	s0 =	sadd.s32 s6, s0;
	[sflag:s25] =	ssyncadd.s32 $0xFFFFE000  }
0xbf: {  	[hbm4b:s0+s3] =	stream.linear.scatter [tilespmem:s19], [sflag:$0x1], $0x4000, $0x38;
	[tilespmem:$0x12400] =	vst v63  }
0xc0: {  	_ =	swait.ge [sflag:s1], $0x4000  }
0xc1: {  	[sflag:s1] =	ssyncset.done $0x0  }
0xc2: {  	s12 =	simm.s32 $0x6200;
	[sflag:s1] =	ssyncadd.s32 $0xFFFFC000  }
0xc3: {  	[tilespmem:s26], [sflag:$0x3] =	stream.indirect.gather [hbm4b:s5+s18], $0x40, s12, s18, $0xb8;
	[tilespmem:$0x12400] =	vst v63  }
0xc4: {  	s13 =	simm.s32 $0x6280  }
0xc5: {  	[tilespmem:s29], [sflag:$0x3] =	stream.indirect.gather [hbm4b:s5+s18], $0x40, s13, s18, $0xb8;
	[tilespmem:$0x12400] =	vst v63  }
0xc6: {  	_ =	swait.ge [sflag:s30], $0x2000  }
0xc7: {  	[sflag:s30] =	ssyncset.done $0x0  }
0xc8: {  	[sflag:s30] =	ssyncadd.s32 $0xFFFFE000  }
0xc9: {  	_ =	swait.ge [sflag:s30], $0x2000  }
0xca: {  	[sflag:s30] =	ssyncset.done $0x0  }
0xcb: {  	s14 =	rddreg [dreg:$0x8];
	[sflag:s30] =	ssyncadd.s32 $0xFFFFE000  }
0xcc: {  	[hbm4b:s14+s3] =	stream.linear.scatter [tilespmem:s22], [sflag:$0x2], $0x4000, $0x38;
	[tilespmem:$0x12400] =	vst v63  }
0xcd: {  	_ =	swait.ge [sflag:s25], $0x4000  }
0xce: {  	[sflag:s25] =	ssyncset.done $0x0  }
0xcf: {  	s15 =	simm.s32 $0x6300;
	[sflag:s25] =	ssyncadd.s32 $0xFFFFC000  }
0xd0: {  	[tilespmem:s19], [sflag:$0x1] =	stream.indirect.gather [hbm4b:s5+s18], $0x40, s15, s18, $0xb8;
	[tilespmem:$0x12400] =	vst v63  }
0xd1: {  	s21 =	simm.s32 $0x6380  }
0xd2: {  	[tilespmem:s20], [sflag:$0x1] =	stream.indirect.gather [hbm4b:s5+s18], $0x40, s21, s18, $0xb8;
	[tilespmem:$0x12400] =	vst v63  }
0xd3: {  	_ =	swait.ge [sflag:s1], $0x2000  }
0xd4: {  	[sflag:s1] =	ssyncset.done $0x0  }
0xd5: {  	[sflag:s1] =	ssyncadd.s32 $0xFFFFE000  }
0xd6: {  	_ =	swait.ge [sflag:s1], $0x2000  }
0xd7: {  	[sflag:s1] =	ssyncset.done $0x0  }
0xd8: {  	s23 =	rddreg [dreg:$0x9];
	[sflag:s1] =	ssyncadd.s32 $0xFFFFE000  }
0xd9: {  	[hbm4b:s23+s3] =	stream.linear.scatter [tilespmem:s26], [sflag:$0x3], $0x4000, $0x38;
	[tilespmem:$0x12400] =	vst v63  }
0xda: {  	_ =	swait.ge [sflag:s30], $0x4000  }
0xdb: {  	[sflag:s30] =	ssyncset.done $0x0  }
0xdc: {  	[sflag:s30] =	ssyncadd.s32 $0xFFFFC000  }
0xdd: {  	_ =	swait.ge [sflag:s25], $0x2000  }
0xde: {  	[sflag:s25] =	ssyncset.done $0x0  }
0xdf: {  	[sflag:s25] =	ssyncadd.s32 $0xFFFFE000  }
0xe0: {  	_ =	swait.ge [sflag:s25], $0x2000  }
0xe1: {  	[sflag:s25] =	ssyncset.done $0x0  }
0xe2: {  	s28 =	rddreg [dreg:$0xa];
	[sflag:s25] =	ssyncadd.s32 $0xFFFFE000  }
0xe3: {  	[hbm4b:s28+s3] =	stream.linear.scatter [tilespmem:s19], [sflag:$0x1], $0x4000, $0x38;
	[tilespmem:$0x12400] =	vst v63  }
0xe4: {  	_ =	swait.ge [sflag:s1], $0x4000  }
0xe5: {  	[sflag:s1] =	ssyncset.done $0x0  }
0xe6: {  	[sflag:s1] =	ssyncadd.s32 $0xFFFFC000  }
0xe7: {  	_ =	swait.ge [sflag:s25], $0x4000  }
0xe8: {  	s16 =	sadd.s32 $0x1, s16;
	s31 =	rddreg [dreg:$0xb]  }
0xe9: {  	p0 =	sne.s32 s16, s31  }
.Ltmp1:
0xea: {  	_ = 	snop;
	(pc) =	sbr.rel @p0 .LBB2_1-.Ltmp1, $3  }
0xeb: {  	_ =	sdelay $0x1  }
0xec: {  	[sflag:s25] =	ssyncset.done $0x0  }
0xed: {  	[sflag:s25] =	ssyncadd.s32 $0xFFFFC000  }
0xee: {  	_ =	sfence.sel $0x180000  }
0xef: {  	[bflag:$0x0] =	sbarrier.arrive $0xFFFF  }
0xf0: {  	_ =	strace $0x90000047  }
0xf1: {  	s0 =	stileid.u32;
	[bflag:$0x2] =	sbarrier.arrive $0xFFFF  }
0xf2: {  	p0 =	sne.s32 s0, $0x0;
	s0 =	rddreg [dreg:$0x2]  }
0xf3: {  	s0 =	sadd.s32 @!p0 $0x100000, s0  }
0xf4: {  	[sflag:s0] =	ssyncadd.tile.s32 @!p0 $0x1;
	_ =	shalt  }
.Lfunc_end2:
_tile_overlayer_lowered:
.L_overlay_start_2:
0xf5: {  	(tag) =	ssettag $0x2  }
0xf6: {  	s0 =	rddreg [dreg:$0x0];
	s2 =	stileid.u32  }
0xf7: {  	s1 =	rddreg [dreg:$0x1];
	p0 =	sne.s32 s2, $0x0  }
0xf8: {  	s3 =	rddreg [dreg:$0x2];
	[bflag:$0x3] =	sbarrier.arrive $0xFFFF;
	s2 =	simm.s32 @!p0 $0x1C04  }
0xf9: {  	[timem:s3], [sflag:s2] =	dma.local @!p0 [hbm:s0], s1  }
0xfa: {  	s0 =	simm.s32 @!p0 $0x4  }
0xfb: {  	_ =	swait.ge @!p0 [sflag:s0], s1  }
0xfc: {  	s1 =	ssub.s32 @!p0 $0x0, s1;
	[sflag:s0] =	ssyncset.done @!p0 $0x0  }
0xfd: {  	[sflag:s0] =	ssyncadd.s32 @!p0 s1  }
0xfe: {  	[bflag:$0x3] =	sbarrier.arrive $0xFFFF  }
0xff: {  	_ =	shalt  }

// kernel: sparse-core-data-format-call.cloned.1.call-start
scs
called_computation_lowered:
.L_overlay_start_0:
0x0: {  	s2 =	sld [smem:$0x3FD9]  }
0x1: {  	s3 =	sld [smem:$0x3FFE];
	_ =	sdelay $0x1  }
0x2: {  	s1 =	srdreg.scid  }
0x3: {  	s0 =	sand.u32 $0x1, s1  }
0x4: {  	s18 =	sshll.u32 s0, $0xA;
	s2 =	sadd.s32 s3, s2  }
0x5: {  	s2 =	sadd.s32 s2, s18  }
0x6: {  	[smem:$0x3FC6] =	sst s2  }
0x7: {  	_ = 	snop  }
0x8: {  	s2 =	sld [smem:$0x3FD0];
	(tm) =	ssettm $0x1  }
0x9: {  	s19 =	sld [smem:$0x3FFB];
	_ =	sdelay $0x3  }
0xa: {  	_ =	strace s19  }
0xb: {  	s3 =	sld [smem:$0x3FFC];
	_ =	sdelay $0x3  }
0xc: {  	_ =	strace s3  }
0xd: {  	s3 =	sld [smem:$0x3FFD];
	_ =	sdelay $0x3  }
0xe: {  	_ =	strace s3  }
0xf: {  	_ =	strace $0x8FFFFFFF  }
0x10: {  	s20 =	sld [smem:$0x3FDB];
	_ =	sdelay $0x1  }
0x11: {  	s4 =	simm.s32 $_scs_section_size  }
0x12: {  	s5 =	simm.s32 $_size__tile_overlayer_lowered;
	s6 =	simm.s32 $_tile_overlayer_lowered  }
0x13: {  	s23 =	simm.s32 $0x1BFF;
	s22 =	sshll.u32 s6, $0x1;
	s3 =	sadd.s32 s4, s20  }
0x14: {  	s7 =	simm.s32 $0x0;
	s21 =	sshll.u32 s5, $0x1;
	s5 =	sadd.s32 s22, s3  }
0x15: {  	[timem:s7], [sflag:s23] =	dma.local [hbm:s5], s21  }
0x16: {  	_ =	swait.ge [sflag:s23], s21  }
0x17: {  	s4 =	ssub.s32 $0x0, s21;
	[sflag:s23] =	ssyncset.done $0x0  }
0x18: {  	[sflag:s23] =	ssyncadd.s32 s4;
	_ =	sdelay $0x1  }
0x19: {  	s24 =	simm.s32 $0x1B8B  }
0x1a: {  	_ =	swait.ge [sflag:s24], $0x1  }
0x1b: {  	[sflag:s24] =	ssyncset.done $0x0  }
0x1c: {  	s26 =	simm.s32 $0x1B8E;
	s25 =	sld [smem:$0x3FFE];
	[sflag:s24] =	ssyncadd.s32 $0xFFFFFFFF  }
0x1d: {  	s27 =	simm.s32 $execute0_lowered;
	[smem:$0x3FD2] =	sst s26  }
0x1e: {  	s5 =	sshll.u32 s27, $0x1;
	_ =	strace $0x80000049;
	[dreg:$0x1] =	wrdreg $0xFFFFFFFF  }
0x1f: {  	s28 =	simm.s32 $_size_execute0_lowered;
	s3 =	sadd.s32 s3, s5;
	[dreg:$0x0] =	wrdreg $0x0  }
0x20: {  	s5 =	sshll.u32 s28, $0x1;
	[dreg:$0x2] =	wrdreg s3  }
0x21: {  	[dreg:$0x3] =	wrdreg s5  }
0x22: {  	[dreg:$0x4] =	wrdreg $0xC0  }
0x23: {  	_ =	task [dreg:s7], $0x5FFFF  }
0x24: {  	[dreg:$0x1] =	wrdreg $0xFFFFFFFF  }
0x25: {  	[dreg:$0x0] =	wrdreg $0x60  }
0x26: {  	[dreg:$0x2] =	wrdreg s25  }
0x27: {  	[dreg:$0x3] =	wrdreg s2  }
0x28: {  	[dreg:$0x4] =	wrdreg $0x9  }
0x29: {  	_ =	task.clear_ibuf [dreg:s7], $0x5FFFF;
	_ =	strace $0x90000049  }
0x2a: {  	s29 =	simm.s32 $0x9;
	_ =	strace $0x8000004B  }
0x2b: {  	_ =	swait.ge [sflag:s29], $0x1  }
0x2c: {  	[sflag:s29] =	ssyncadd.s32 $0xFFFFFFFF  }
0x2d: {  	_ =	strace $0x9000004B  }
0x2e: {  	_ =	sfence  }
0x2f: {  	s30 =	sld [smem:$0x0];
	_ =	sdelay $0x2  }
0x30: {  	s31 =	sshll.u32 s1, $0xD;
	s1 =	sshrl.u32 s1, $0x2  }
0x31: {  	s3 =	sand.u32 $0x4000, s31;
	s1 =	sadd.s32 s1, s30  }
0x32: {  	s0 =	sor.u32 s3, s0;
	s1 =	sshll.u32 s1, $0x11  }
0x33: {  	s0 =	sor.u32 s1, s0  }
0x34: {  	s0 =	sadd.s32 $0x8F2B, s0  }
0x35: {  	[sflag:s0] =	ssyncadd.remote.s32 $0x1  }
0x36: {  	_ =	sfence.sel $0xFFFF  }
0x37: {  	[dreg:$0x0] =	wrdreg $0xFFFFFFFF;
	(pc) =	sbr.abs _section_cstart, $3  }
0x38: {  	[dreg:$0x1] =	wrdreg $0xFFFFFFFF  }
0x39: {  	_ =	task.clear_ibuf [dreg:s7], $0x2FFFF;
	_ =	strace $0x9FFFFFFF  }
0x3a: {  	(tm) =	ssettm $0x7FFFFFFF  }
0x3b: {  	_ =	shalt  }
tec
execute0_lowered:
.L_overlay_start_1:
0x0: {  	(tag) =	ssettag $0x1  }
0x1: {  	s0 =	srdreg.scid  }
0x2: {  	s1 =	sshll.u32 s0, $0x4  }
0x3: {  	s0 =	stileid.u32;
	s1 =	sand.u32 $0x10, s1  }
0x4: {  	s7 =	rddreg [dreg:$0x0];
	s1 =	sor.u32 s0, s1  }
0x5: {  	s4 =	simm.s32 $0x1;
	s8 =	simm.s32 $0x2;
	s2 =	sshll.u32 s1, $0x7  }
0x6: {  	s13 =	simm.s32 $0x0;
	s9 =	simm.s32 $0x20000;
	s1 =	ssub.s32 $0x4000, s2  }
0x7: {  	s14 =	simm.s32 $0x0;
	s11 =	simm.s32 $0x0;
	s3 =	sand.u32 $0xF80, s1  }
0x8: {  	s12 =	simm.s32 $0x0;
	s5 =	sshrl.u32 s1, $0xC;
	p0 =	sne.s32 s3, $0x0  }
.Ltmp0:
0x9: {  	s1 =	rddreg [dreg:$0x2];
	s4 =	simm.s32 @!p0 $0x0;
	(pc) =	sbr.rel .LBB1_1-.Ltmp0, $4  }
0xa: {  	s6 =	sadd.s32 $0xA00, s7;
	s3 =	rddreg [dreg:$0x1];
	s5 =	sadd.s32 s4, s5  }
0xb: {  	_ =	strace $0x8000004A;
	s4 =	simm.s32 $0x1;
	s5 =	smul.u32 $0x19, s5  }
0xc: {  	s7 =	sadd.s32 $0x40A00, s7;
	s10 =	smov.u32 s2;
	[sflag:s4] =	ssyncpa.u1 $0x0  }
0xd: {  	p0 =	por $0x0, $0x0;
	[sflag:s8] =	ssyncpa.u1 $0x0;
	s8 =	sadd.s32 $0x1, s5  }
.LBB1_7:
0xe: {  	s15 =	sadd.s32 $0x1000, s10  }
0xf: {  	s13 =	sadd.s32 $0x2, s11;
	s17 =	smov.u32 s11;
	p2 =	sgt.s32 s15, $0x3FFF  }
0x10: {  	s17 =	smov.u32 @p2 s13  }
0x11: {  	s15 =	smov.u32 @p2 s2;
	p2 =	sgt.s32 s17, $0x31  }
0x12: {  	s17 =	simm.s32 @p2 $0x0;
	p2 =	sne.s32 s12, s8  }
.Ltmp1:
0x13: {  	p1 =	slt.u32 s12, $0x2;
	(pc) =	sbr.rel @!p2 .LBB1_8-.Ltmp1, $4  }
0x14: {  	s16 =	simm.s32 @!p1 $0x2  }
0x15: {  	s14 =	smov.u32 s11;
	p0 =	por !p0, !p0;
	_ =	swait.ge @!p1 [sflag:s16], $0x4000  }
0x16: {  	s13 =	smov.u32 s10;
	[sflag:s16] =	ssyncset.done @!p1 $0x0;
	s10 =	smov.u32 s15  }
0x17: {  	s12 =	sadd.s32 $0x1, s12;
	[sflag:s16] =	ssyncadd.s32 @!p1 $0xFFFFC000;
	s11 =	smov.u32 s17  }
.LBB1_1:
0x18: {  	p1 =	sge.u32 s12, s5  }
0x19: {  	s15 =	sxor.u32 @!p1 $0xFFFFFFFF, s12;
	s16 =	sshll.u32 @!p1 s11, $0x12  }
0x1a: {  	s17 =	sshll.u32 @!p1 s10, $0x4;
	s19 =	simm.s32 @!p1 $0x40;
	s20 =	simm.s32 @!p1 $0x80  }
0x1b: {  	s15 =	sshll.u32 @!p1 s15, $0xE;
	s17 =	sand.u32 @!p1 $0x3FFF0, s17;
	s18 =	sadd.s32 @!p1 s6, s16  }
0x1c: {  	s16 =	sadd.s32 @!p1 s16, s7;
	s15 =	sand.u32 @!p1 $0x4000, s15;
	s18 =	sadd.s32 @!p1 s17, s18  }
0x1d: {  	[tilespmem:s15], [sflag:$0x1] =	stream.strided.gather @!p1 [hbm4b:s18+s19], $0x2000, s20, s19, $0x38;
	[tilespmem:$0x10100] =	vst v63  }
0x1e: {  	s31 =	sadd.s32 $0xFFFFFFFF, s12;
	s16 =	sadd.s32 @!p1 s17, s16;
	s15 =	sor.u32 @!p1 $0x2000, s15  }
0x1f: {  	[tilespmem:s15], [sflag:$0x1] =	stream.strided.gather @!p1 [hbm4b:s16+s19], $0x2000, s20, s19, $0x38;
	[tilespmem:$0x10100] =	vst v63  }
0x20: {  	p1 =	sge.u32 s31, s5  }
.Ltmp2:
0x21: {  	_ = 	snop;
	(pc) =	sbr.rel @p1 .LBB1_7-.Ltmp2, $1  }
0x22: {  	_ =	sdelay $0x3  }
0x23: {  	s15 =	simm.s32 $0x1;
	s17 =	sand.u32 $0x1, s12  }
0x24: {  	_ =	swait.ge [sflag:s4], $0x4000;
	s15 =	simm.s32 @!p0 $0x0;
	s17 =	smul.u32 $0x10200, s17  }
0x25: {  	p2 =	por $0x1, $0x1;
	[sflag:s4] =	ssyncset.done $0x0;
	s16 =	smul.u32 $0x10200, s15  }
0x26: {  	s18 =	sshll.u32 s15, $0x10;
	[sflag:s4] =	ssyncadd.s32 $0xFFFFC000;
	s30 =	sshrl.u32 s17, $0x2  }
0x27: {  	s31 =	sshrl.u32 s18, $0x2;
	s18 =	simm.s32 $0x0;
	s16 =	sshrl.u32 s16, $0x2  }
0x28: {  	s15 =	sor.u32 $0x8000, s30;
	s17 =	sadd.s32 $0x20, s31;
	s16 =	sor.u32 $0x8000, s16  }
.LBB1_3:
0x29: {  	s19 =	sshll.u32 s18, $0xD  }
0x2a: {  	s19 =	sand.u32 $0x3FFFE000, s19  }
0x2b: {  	s21 =	sadd.s32 s19, s17  }
0x2c: {  	s31 =	smul.u32 $0x8100, s18;
	v3 =	vld [tilespmem:s21+$0x10]  }
0x2d: {  	v1 =	vld [tilespmem:s21+$0xFFFFFFF0]  }
0x2e: {  	s18 =	sshra.s32 s31, $0x2;
	v0 =	vld [tilespmem:s21+$0x0]  }
0x2f: {  	s18 =	sadd.s32 s18, s16;
	v2 =	vld [tilespmem:s21+$0xFFFFFFE0]  }
0x30: {  	s19 =	sadd.s32 $0x0, s18  }
0x31: {  	p1 =	por p2, p2;
	s20 =	simm.s32 $0x4;
	s21 =	sadd.s32 $0x40, s21;
	[tilespmem:s19+$0x1830 ss:$0x81] =	vst.msk $0xffff, v3  }
.LBB1_4:
0x32: {  	v3 =	vld [tilespmem:s21+$0x10];
	p2 =	sne.s32 s20, $0x1FC;
	[tilespmem:s19+$0x810 ss:$0x81] =	vst.msk $0xffff, v1;
	s22 =	smov.u32 s20;
	s20 =	sadd.s32 $0x4, s20  }
.Ltmp3:
0x33: {  	v1 =	vld [tilespmem:s21+$0xFFFFFFF0];
	[tilespmem:s19+$0x1020 ss:$0x81] =	vst.msk $0xffff, v0;
	(pc) =	sbr.rel @p2 .LBB1_4-.Ltmp3, $4  }
0x34: {  	v0 =	vld [tilespmem:s21+$0x0];
	[tilespmem:s19+$0x0 ss:$0x81] =	vst.msk $0xffff, v2  }
0x35: {  	s19 =	sshra.s32 s22, $0x2;
	v2 =	vld [tilespmem:s21+$0xFFFFFFE0]  }
0x36: {  	s19 =	sadd.s32 s19, s18  }
0x37: {  	s21 =	sadd.s32 $0x40, s21;
	[tilespmem:s19+$0x1830 ss:$0x81] =	vst.msk $0xffff, v3  }
.Ltmp4:
0x38: {  	(pc) =	sbr.rel @p1 .LBB1_3-.Ltmp4, $4  }
0x39: {  	_ = 	snop  }
0x3a: {  	[tilespmem:s19+$0x810 ss:$0x81] =	vst.msk $0xffff, v1  }
0x3b: {  	[tilespmem:s19+$0x1020 ss:$0x81] =	vst.msk $0xffff, v0  }
0x3c: {  	s18 =	simm.s32 $0x1;
	p2 =	por $0x0, $0x0;
	[tilespmem:s19+$0x0 ss:$0x81] =	vst.msk $0xffff, v2  }
0x3d: {  	s16 =	sshll.u32 s13, $0x3;
	s17 =	sand.u32 $0x78, s13;
	s14 =	sshll.u32 s14, $0x11  }
.Ltmp5:
0x3e: {  	s30 =	sand.u32 $0x1F800, s13;
	s16 =	sand.u32 $0x3C00, s16;
	(pc) =	sbr.rel .LBB1_7-.Ltmp5, $4  }
0x3f: {  	s31 =	sand.u32 $0x7, s13;
	s14 =	sadd.s32 s3, s14;
	s16 =	sor.u32 s17, s16  }
0x40: {  	s13 =	sshll.u32 s31, $0x12;
	s14 =	sadd.s32 s30, s14;
	s16 =	sshrl.u32 s16, $0x3  }
0x41: {  	s13 =	sor.u32 $0x400, s13;
	s14 =	sadd.s32 s16, s14  }
0x42: {  	[hbm4b:s14+s13] =	stream.strided.scatter [tilespmem:s15], [sflag:$0x2], $0x4000, s9, s13, $0x20;
	[tilespmem:$0x10100] =	vst v63  }
.LBB1_8:
0x43: {  	_ =	sfence.sel $0x180000  }
0x44: {  	s2 =	simm.s32 $0x1;
	[bflag:$0x0] =	sbarrier.arrive $0xFFFF  }
0x45: {  	s31 =	simm.s32 $0x2;
	[sflag:s2] =	ssyncpa.u1 $0x1  }
0x46: {  	[sflag:s31] =	ssyncpa.u1 $0x1  }
0x47: {  	p0 =	sne.s32 s0, $0x0;
	_ =	strace $0x9000004A  }
0x48: {  	s0 =	sadd.s32 @!p0 $0x100000, s1;
	[bflag:$0x2] =	sbarrier.arrive $0xFFFF  }
0x49: {  	[sflag:s0] =	ssyncadd.tile.s32 @!p0 $0x1;
	_ =	shalt  }
.Lfunc_end1:
_tile_overlayer_lowered:
.L_overlay_start_2:
0x4a: {  	(tag) =	ssettag $0x2  }
0x4b: {  	s0 =	rddreg [dreg:$0x0];
	s2 =	stileid.u32  }
0x4c: {  	s1 =	rddreg [dreg:$0x1];
	p0 =	sne.s32 s2, $0x0  }
0x4d: {  	s3 =	rddreg [dreg:$0x2];
	[bflag:$0x3] =	sbarrier.arrive $0xFFFF;
	s2 =	simm.s32 @!p0 $0x1C01  }
0x4e: {  	[timem:s3], [sflag:s2] =	dma.local @!p0 [hbm:s0], s1  }
0x4f: {  	s0 =	simm.s32 @!p0 $0x1  }
0x50: {  	_ =	swait.ge @!p0 [sflag:s0], s1  }
0x51: {  	s1 =	ssub.s32 @!p0 $0x0, s1;
	[sflag:s0] =	ssyncset.done @!p0 $0x0  }
0x52: {  	[sflag:s0] =	ssyncadd.s32 @!p0 s1  }
0x53: {  	[bflag:$0x3] =	sbarrier.arrive $0xFFFF  }
0x54: {  	_ =	shalt  }

</sc_bundles>
